<compile_context>
chip_gen: v7x
topology: tpu7x:2x2x1
jax: 0.10.2.dev20260603
libtpu: 0.0.44.dev20260713+nightly
codegen_flags: <defaults>
</compile_context>

<pallas_src>
import functools

import jax
import jax.numpy as jnp
from jax.experimental import pallas as pl
from jax.experimental.pallas import tpu as pltpu
from jax.experimental.pallas import tpu_sc as plsc

PH = 16
PW = 16
HALF = 512

_mesh = plsc.ScalarSubcoreMesh(axis_name="c", num_cores=1)


@functools.partial(
    pl.kernel,
    out_type=jax.ShapeDtypeStruct((PH, PW, 2, HALF), jnp.float32),
    mesh=_mesh,
    scratch_types=[
        pltpu.VMEM_SHARED((PH, HALF), jnp.float32),
        pltpu.VMEM_SHARED((PW, HALF), jnp.float32),
        pltpu.SemaphoreType.DMA,
        pltpu.SemaphoreType.DMA,
        pltpu.SemaphoreType.DMA,
    ],
)
def _sc_fill(row_hbm, col_hbm, out_hbm, rtab, ctab, sem_r, sem_c, sem_out):
    dr = pltpu.async_copy(row_hbm, rtab, sem_r)
    dc = pltpu.async_copy(col_hbm, ctab, sem_c)
    descs = []
    dc.wait()
    for i in range(PH):
        descs.append(pltpu.async_copy(ctab, out_hbm.at[i, :, 1], sem_out))
    dr.wait()
    for i in range(PW):
        descs.append(pltpu.async_copy(rtab, out_hbm.at[:, i, 0], sem_out))
    for d in descs:
        d.wait()


def kernel(row_embed, col_embed):
    out = _sc_fill(row_embed, col_embed)
    return out.reshape(PH * PW, 2 * HALF)

# --- scband reference (transcript-rebuilt; emitter-appended) ---
"""Pipeline reference for scband-spatial-pos-encoding-46488726012487 (READ-ONLY COPY).

The authoritative reference and input builder live on the scoring server;
editing this copy changes nothing except your own understanding.
"""

import jax, jax.numpy as jnp
import numpy as np

FRAME_SIZE = 64
PATCH_SIZE = 4
NUM_PATCHES = (FRAME_SIZE // PATCH_SIZE) ** 2
D_MODEL = 1024


def setup_inputs(seed: int = 0) -> dict:
    key = jax.random.key(seed)
    k1, k2 = jax.random.split(key)
    ph = pw = FRAME_SIZE // PATCH_SIZE
    half = D_MODEL // 2
    row_embed = jax.random.normal(k1, (ph, half), dtype=jnp.float32)
    col_embed = jax.random.normal(k2, (pw, half), dtype=jnp.float32)
    return {"row_embed": row_embed, "col_embed": col_embed}


def reference(row_embed, col_embed):
    ph = pw = FRAME_SIZE // PATCH_SIZE
    half = row_embed.shape[-1]
    rows = jnp.arange(ph)
    cols = jnp.arange(pw)
    # embedding lookup (gather) then broadcast over the other spatial axis
    row_emb = jnp.take(row_embed, rows, axis=0)  # [ph, half]
    col_emb = jnp.take(col_embed, cols, axis=0)  # [pw, half]
    row_emb = jnp.broadcast_to(row_emb[:, None, :], (ph, pw, half))
    col_emb = jnp.broadcast_to(col_emb[None, :, :], (ph, pw, half))
    out = jnp.concatenate([row_emb, col_emb], axis=-1).reshape(NUM_PATCHES, -1)
    return out

if __name__ == "__main__":
    import jax
    _d = setup_inputs()
    print(jax.jit(kernel)(*tuple(_d.values())))

</pallas_src>

<mosaic_0001>
#map = affine_map<(d0) -> (0, 0)>
#map1 = affine_map<(d0) -> (0, 0, 0, 0)>
module attributes {stable_mosaic.version = 14 : i64} {
  func.func @_sc_fill(%arg0: i32, %arg1: memref<16x512xf32, #tpu.memory_space<hbm>>, %arg2: memref<16x512xf32, #tpu.memory_space<hbm>>, %arg3: memref<16x16x2x512xf32, #tpu.memory_space<hbm>>, %arg4: memref<16x512xf32, #tpu.memory_space<vmem_shared>>, %arg5: memref<16x512xf32, #tpu.memory_space<vmem_shared>>, %arg6: memref<!tpu.dma_semaphore, #tpu.memory_space<semaphore_mem>>, %arg7: memref<!tpu.dma_semaphore, #tpu.memory_space<semaphore_mem>>, %arg8: memref<!tpu.dma_semaphore, #tpu.memory_space<semaphore_mem>>) attributes {dimension_semantics = [#tpu.dimension_semantics<core_parallel>], iteration_bounds = array<i64: 1>, scalar_prefetch = 0 : i64, scratch_operands = 5 : i64, tpu.core_type = #tpu.core_type<sc_scalar_subcore>, window_params = [{transform_indices = #map}, {transform_indices = #map}, {transform_indices = #map1}]} {
    tpu.enqueue_dma source(%arg1 : memref<16x512xf32, #tpu.memory_space<hbm>>) target(%arg4 : memref<16x512xf32, #tpu.memory_space<vmem_shared>>) target_semaphore(%arg6 : memref<!tpu.dma_semaphore, #tpu.memory_space<semaphore_mem>>)
    tpu.enqueue_dma source(%arg2 : memref<16x512xf32, #tpu.memory_space<hbm>>) target(%arg5 : memref<16x512xf32, #tpu.memory_space<vmem_shared>>) target_semaphore(%arg7 : memref<!tpu.dma_semaphore, #tpu.memory_space<semaphore_mem>>)
    tpu.wait_dma2 semaphore(%arg7 : memref<!tpu.dma_semaphore, #tpu.memory_space<semaphore_mem>>) src(%arg2 : memref<16x512xf32, #tpu.memory_space<hbm>>) dst(%arg5 : memref<16x512xf32, #tpu.memory_space<vmem_shared>>)
    %dma_start3A = arith.constant 0 : i32
    %dma_start3A_0 = arith.constant 1 : i32
    %dma_start3A_1 = arith.constant 0 : i32
    %dma_start3A_2 = arith.constant 0 : i32
    %dma_start3A_3 = tpu.memref_slice %arg3[%dma_start3A, %dma_start3A_1, %dma_start3A_0, %dma_start3A_2] : memref<16x16x2x512xf32, #tpu.memory_space<hbm>> -> memref<1x16x1x512xf32, #tpu.memory_space<hbm>>
    %dma_start3A_4 = tpu.memref_squeeze %dma_start3A_3 : memref<1x16x1x512xf32, #tpu.memory_space<hbm>> -> memref<16x512xf32, #tpu.memory_space<hbm>>
    tpu.enqueue_dma source(%arg5 : memref<16x512xf32, #tpu.memory_space<vmem_shared>>) target(%dma_start3A_4 : memref<16x512xf32, #tpu.memory_space<hbm>>) target_semaphore(%arg8 : memref<!tpu.dma_semaphore, #tpu.memory_space<semaphore_mem>>)
    %dma_start3A_5 = arith.constant 1 : i32
    %dma_start3A_6 = arith.constant 1 : i32
    %dma_start3A_7 = arith.constant 0 : i32
    %dma_start3A_8 = arith.constant 0 : i32
    %dma_start3A_9 = tpu.memref_slice %arg3[%dma_start3A_5, %dma_start3A_7, %dma_start3A_6, %dma_start3A_8] : memref<16x16x2x512xf32, #tpu.memory_space<hbm>> -> memref<1x16x1x512xf32, #tpu.memory_space<hbm>>
    %dma_start3A_10 = tpu.memref_squeeze %dma_start3A_9 : memref<1x16x1x512xf32, #tpu.memory_space<hbm>> -> memref<16x512xf32, #tpu.memory_space<hbm>>
    tpu.enqueue_dma source(%arg5 : memref<16x512xf32, #tpu.memory_space<vmem_shared>>) target(%dma_start3A_10 : memref<16x512xf32, #tpu.memory_space<hbm>>) target_semaphore(%arg8 : memref<!tpu.dma_semaphore, #tpu.memory_space<semaphore_mem>>)
    %dma_start3A_11 = arith.constant 2 : i32
    %dma_start3A_12 = arith.constant 1 : i32
    %dma_start3A_13 = arith.constant 0 : i32
    %dma_start3A_14 = arith.constant 0 : i32
    %dma_start3A_15 = tpu.memref_slice %arg3[%dma_start3A_11, %dma_start3A_13, %dma_start3A_12, %dma_start3A_14] : memref<16x16x2x512xf32, #tpu.memory_space<hbm>> -> memref<1x16x1x512xf32, #tpu.memory_space<hbm>>
    %dma_start3A_16 = tpu.memref_squeeze %dma_start3A_15 : memref<1x16x1x512xf32, #tpu.memory_space<hbm>> -> memref<16x512xf32, #tpu.memory_space<hbm>>
    tpu.enqueue_dma source(%arg5 : memref<16x512xf32, #tpu.memory_space<vmem_shared>>) target(%dma_start3A_16 : memref<16x512xf32, #tpu.memory_space<hbm>>) target_semaphore(%arg8 : memref<!tpu.dma_semaphore, #tpu.memory_space<semaphore_mem>>)
    %dma_start3A_17 = arith.constant 3 : i32
    %dma_start3A_18 = arith.constant 1 : i32
    %dma_start3A_19 = arith.constant 0 : i32
    %dma_start3A_20 = arith.constant 0 : i32
    %dma_start3A_21 = tpu.memref_slice %arg3[%dma_start3A_17, %dma_start3A_19, %dma_start3A_18, %dma_start3A_20] : memref<16x16x2x512xf32, #tpu.memory_space<hbm>> -> memref<1x16x1x512xf32, #tpu.memory_space<hbm>>
    %dma_start3A_22 = tpu.memref_squeeze %dma_start3A_21 : memref<1x16x1x512xf32, #tpu.memory_space<hbm>> -> memref<16x512xf32, #tpu.memory_space<hbm>>
    tpu.enqueue_dma source(%arg5 : memref<16x512xf32, #tpu.memory_space<vmem_shared>>) target(%dma_start3A_22 : memref<16x512xf32, #tpu.memory_space<hbm>>) target_semaphore(%arg8 : memref<!tpu.dma_semaphore, #tpu.memory_space<semaphore_mem>>)
    %dma_start3A_23 = arith.constant 4 : i32
    %dma_start3A_24 = arith.constant 1 : i32
    %dma_start3A_25 = arith.constant 0 : i32
    %dma_start3A_26 = arith.constant 0 : i32
    %dma_start3A_27 = tpu.memref_slice %arg3[%dma_start3A_23, %dma_start3A_25, %dma_start3A_24, %dma_start3A_26] : memref<16x16x2x512xf32, #tpu.memory_space<hbm>> -> memref<1x16x1x512xf32, #tpu.memory_space<hbm>>
    %dma_start3A_28 = tpu.memref_squeeze %dma_start3A_27 : memref<1x16x1x512xf32, #tpu.memory_space<hbm>> -> memref<16x512xf32, #tpu.memory_space<hbm>>
    tpu.enqueue_dma source(%arg5 : memref<16x512xf32, #tpu.memory_space<vmem_shared>>) target(%dma_start3A_28 : memref<16x512xf32, #tpu.memory_space<hbm>>) target_semaphore(%arg8 : memref<!tpu.dma_semaphore, #tpu.memory_space<semaphore_mem>>)
    %dma_start3A_29 = arith.constant 5 : i32
    %dma_start3A_30 = arith.constant 1 : i32
    %dma_start3A_31 = arith.constant 0 : i32
    %dma_start3A_32 = arith.constant 0 : i32
    %dma_start3A_33 = tpu.memref_slice %arg3[%dma_start3A_29, %dma_start3A_31, %dma_start3A_30, %dma_start3A_32] : memref<16x16x2x512xf32, #tpu.memory_space<hbm>> -> memref<1x16x1x512xf32, #tpu.memory_space<hbm>>
    %dma_start3A_34 = tpu.memref_squeeze %dma_start3A_33 : memref<1x16x1x512xf32, #tpu.memory_space<hbm>> -> memref<16x512xf32, #tpu.memory_space<hbm>>
    tpu.enqueue_dma source(%arg5 : memref<16x512xf32, #tpu.memory_space<vmem_shared>>) target(%dma_start3A_34 : memref<16x512xf32, #tpu.memory_space<hbm>>) target_semaphore(%arg8 : memref<!tpu.dma_semaphore, #tpu.memory_space<semaphore_mem>>)
    %dma_start3A_35 = arith.constant 6 : i32
    %dma_start3A_36 = arith.constant 1 : i32
    %dma_start3A_37 = arith.constant 0 : i32
    %dma_start3A_38 = arith.constant 0 : i32
    %dma_start3A_39 = tpu.memref_slice %arg3[%dma_start3A_35, %dma_start3A_37, %dma_start3A_36, %dma_start3A_38] : memref<16x16x2x512xf32, #tpu.memory_space<hbm>> -> memref<1x16x1x512xf32, #tpu.memory_space<hbm>>
    %dma_start3A_40 = tpu.memref_squeeze %dma_start3A_39 : memref<1x16x1x512xf32, #tpu.memory_space<hbm>> -> memref<16x512xf32, #tpu.memory_space<hbm>>
    tpu.enqueue_dma source(%arg5 : memref<16x512xf32, #tpu.memory_space<vmem_shared>>) target(%dma_start3A_40 : memref<16x512xf32, #tpu.memory_space<hbm>>) target_semaphore(%arg8 : memref<!tpu.dma_semaphore, #tpu.memory_space<semaphore_mem>>)
    %dma_start3A_41 = arith.constant 7 : i32
    %dma_start3A_42 = arith.constant 1 : i32
    %dma_start3A_43 = arith.constant 0 : i32
    %dma_start3A_44 = arith.constant 0 : i32
    %dma_start3A_45 = tpu.memref_slice %arg3[%dma_start3A_41, %dma_start3A_43, %dma_start3A_42, %dma_start3A_44] : memref<16x16x2x512xf32, #tpu.memory_space<hbm>> -> memref<1x16x1x512xf32, #tpu.memory_space<hbm>>
    %dma_start3A_46 = tpu.memref_squeeze %dma_start3A_45 : memref<1x16x1x512xf32, #tpu.memory_space<hbm>> -> memref<16x512xf32, #tpu.memory_space<hbm>>
    tpu.enqueue_dma source(%arg5 : memref<16x512xf32, #tpu.memory_space<vmem_shared>>) target(%dma_start3A_46 : memref<16x512xf32, #tpu.memory_space<hbm>>) target_semaphore(%arg8 : memref<!tpu.dma_semaphore, #tpu.memory_space<semaphore_mem>>)
    %dma_start3A_47 = arith.constant 8 : i32
    %dma_start3A_48 = arith.constant 1 : i32
    %dma_start3A_49 = arith.constant 0 : i32
    %dma_start3A_50 = arith.constant 0 : i32
    %dma_start3A_51 = tpu.memref_slice %arg3[%dma_start3A_47, %dma_start3A_49, %dma_start3A_48, %dma_start3A_50] : memref<16x16x2x512xf32, #tpu.memory_space<hbm>> -> memref<1x16x1x512xf32, #tpu.memory_space<hbm>>
    %dma_start3A_52 = tpu.memref_squeeze %dma_start3A_51 : memref<1x16x1x512xf32, #tpu.memory_space<hbm>> -> memref<16x512xf32, #tpu.memory_space<hbm>>
    tpu.enqueue_dma source(%arg5 : memref<16x512xf32, #tpu.memory_space<vmem_shared>>) target(%dma_start3A_52 : memref<16x512xf32, #tpu.memory_space<hbm>>) target_semaphore(%arg8 : memref<!tpu.dma_semaphore, #tpu.memory_space<semaphore_mem>>)
    %dma_start3A_53 = arith.constant 9 : i32
    %dma_start3A_54 = arith.constant 1 : i32
    %dma_start3A_55 = arith.constant 0 : i32
    %dma_start3A_56 = arith.constant 0 : i32
    %dma_start3A_57 = tpu.memref_slice %arg3[%dma_start3A_53, %dma_start3A_55, %dma_start3A_54, %dma_start3A_56] : memref<16x16x2x512xf32, #tpu.memory_space<hbm>> -> memref<1x16x1x512xf32, #tpu.memory_space<hbm>>
    %dma_start3A_58 = tpu.memref_squeeze %dma_start3A_57 : memref<1x16x1x512xf32, #tpu.memory_space<hbm>> -> memref<16x512xf32, #tpu.memory_space<hbm>>
    tpu.enqueue_dma source(%arg5 : memref<16x512xf32, #tpu.memory_space<vmem_shared>>) target(%dma_start3A_58 : memref<16x512xf32, #tpu.memory_space<hbm>>) target_semaphore(%arg8 : memref<!tpu.dma_semaphore, #tpu.memory_space<semaphore_mem>>)
    %dma_start3A_59 = arith.constant 10 : i32
    %dma_start3A_60 = arith.constant 1 : i32
    %dma_start3A_61 = arith.constant 0 : i32
    %dma_start3A_62 = arith.constant 0 : i32
    %dma_start3A_63 = tpu.memref_slice %arg3[%dma_start3A_59, %dma_start3A_61, %dma_start3A_60, %dma_start3A_62] : memref<16x16x2x512xf32, #tpu.memory_space<hbm>> -> memref<1x16x1x512xf32, #tpu.memory_space<hbm>>
    %dma_start3A_64 = tpu.memref_squeeze %dma_start3A_63 : memref<1x16x1x512xf32, #tpu.memory_space<hbm>> -> memref<16x512xf32, #tpu.memory_space<hbm>>
    tpu.enqueue_dma source(%arg5 : memref<16x512xf32, #tpu.memory_space<vmem_shared>>) target(%dma_start3A_64 : memref<16x512xf32, #tpu.memory_space<hbm>>) target_semaphore(%arg8 : memref<!tpu.dma_semaphore, #tpu.memory_space<semaphore_mem>>)
    %dma_start3A_65 = arith.constant 11 : i32
    %dma_start3A_66 = arith.constant 1 : i32
    %dma_start3A_67 = arith.constant 0 : i32
    %dma_start3A_68 = arith.constant 0 : i32
    %dma_start3A_69 = tpu.memref_slice %arg3[%dma_start3A_65, %dma_start3A_67, %dma_start3A_66, %dma_start3A_68] : memref<16x16x2x512xf32, #tpu.memory_space<hbm>> -> memref<1x16x1x512xf32, #tpu.memory_space<hbm>>
    %dma_start3A_70 = tpu.memref_squeeze %dma_start3A_69 : memref<1x16x1x512xf32, #tpu.memory_space<hbm>> -> memref<16x512xf32, #tpu.memory_space<hbm>>
    tpu.enqueue_dma source(%arg5 : memref<16x512xf32, #tpu.memory_space<vmem_shared>>) target(%dma_start3A_70 : memref<16x512xf32, #tpu.memory_space<hbm>>) target_semaphore(%arg8 : memref<!tpu.dma_semaphore, #tpu.memory_space<semaphore_mem>>)
    %dma_start3A_71 = arith.constant 12 : i32
    %dma_start3A_72 = arith.constant 1 : i32
    %dma_start3A_73 = arith.constant 0 : i32
    %dma_start3A_74 = arith.constant 0 : i32
    %dma_start3A_75 = tpu.memref_slice %arg3[%dma_start3A_71, %dma_start3A_73, %dma_start3A_72, %dma_start3A_74] : memref<16x16x2x512xf32, #tpu.memory_space<hbm>> -> memref<1x16x1x512xf32, #tpu.memory_space<hbm>>
    %dma_start3A_76 = tpu.memref_squeeze %dma_start3A_75 : memref<1x16x1x512xf32, #tpu.memory_space<hbm>> -> memref<16x512xf32, #tpu.memory_space<hbm>>
    tpu.enqueue_dma source(%arg5 : memref<16x512xf32, #tpu.memory_space<vmem_shared>>) target(%dma_start3A_76 : memref<16x512xf32, #tpu.memory_space<hbm>>) target_semaphore(%arg8 : memref<!tpu.dma_semaphore, #tpu.memory_space<semaphore_mem>>)
    %dma_start3A_77 = arith.constant 13 : i32
    %dma_start3A_78 = arith.constant 1 : i32
    %dma_start3A_79 = arith.constant 0 : i32
    %dma_start3A_80 = arith.constant 0 : i32
    %dma_start3A_81 = tpu.memref_slice %arg3[%dma_start3A_77, %dma_start3A_79, %dma_start3A_78, %dma_start3A_80] : memref<16x16x2x512xf32, #tpu.memory_space<hbm>> -> memref<1x16x1x512xf32, #tpu.memory_space<hbm>>
    %dma_start3A_82 = tpu.memref_squeeze %dma_start3A_81 : memref<1x16x1x512xf32, #tpu.memory_space<hbm>> -> memref<16x512xf32, #tpu.memory_space<hbm>>
    tpu.enqueue_dma source(%arg5 : memref<16x512xf32, #tpu.memory_space<vmem_shared>>) target(%dma_start3A_82 : memref<16x512xf32, #tpu.memory_space<hbm>>) target_semaphore(%arg8 : memref<!tpu.dma_semaphore, #tpu.memory_space<semaphore_mem>>)
    %dma_start3A_83 = arith.constant 14 : i32
    %dma_start3A_84 = arith.constant 1 : i32
    %dma_start3A_85 = arith.constant 0 : i32
    %dma_start3A_86 = arith.constant 0 : i32
    %dma_start3A_87 = tpu.memref_slice %arg3[%dma_start3A_83, %dma_start3A_85, %dma_start3A_84, %dma_start3A_86] : memref<16x16x2x512xf32, #tpu.memory_space<hbm>> -> memref<1x16x1x512xf32, #tpu.memory_space<hbm>>
    %dma_start3A_88 = tpu.memref_squeeze %dma_start3A_87 : memref<1x16x1x512xf32, #tpu.memory_space<hbm>> -> memref<16x512xf32, #tpu.memory_space<hbm>>
    tpu.enqueue_dma source(%arg5 : memref<16x512xf32, #tpu.memory_space<vmem_shared>>) target(%dma_start3A_88 : memref<16x512xf32, #tpu.memory_space<hbm>>) target_semaphore(%arg8 : memref<!tpu.dma_semaphore, #tpu.memory_space<semaphore_mem>>)
    %dma_start3A_89 = arith.constant 15 : i32
    %dma_start3A_90 = arith.constant 1 : i32
    %dma_start3A_91 = arith.constant 0 : i32
    %dma_start3A_92 = arith.constant 0 : i32
    %dma_start3A_93 = tpu.memref_slice %arg3[%dma_start3A_89, %dma_start3A_91, %dma_start3A_90, %dma_start3A_92] : memref<16x16x2x512xf32, #tpu.memory_space<hbm>> -> memref<1x16x1x512xf32, #tpu.memory_space<hbm>>
    %dma_start3A_94 = tpu.memref_squeeze %dma_start3A_93 : memref<1x16x1x512xf32, #tpu.memory_space<hbm>> -> memref<16x512xf32, #tpu.memory_space<hbm>>
    tpu.enqueue_dma source(%arg5 : memref<16x512xf32, #tpu.memory_space<vmem_shared>>) target(%dma_start3A_94 : memref<16x512xf32, #tpu.memory_space<hbm>>) target_semaphore(%arg8 : memref<!tpu.dma_semaphore, #tpu.memory_space<semaphore_mem>>)
    tpu.wait_dma2 semaphore(%arg6 : memref<!tpu.dma_semaphore, #tpu.memory_space<semaphore_mem>>) src(%arg1 : memref<16x512xf32, #tpu.memory_space<hbm>>) dst(%arg4 : memref<16x512xf32, #tpu.memory_space<vmem_shared>>)
    %dma_start3A_95 = arith.constant 0 : i32
    %dma_start3A_96 = arith.constant 0 : i32
    %dma_start3A_97 = arith.constant 0 : i32
    %dma_start3A_98 = arith.constant 0 : i32
    %dma_start3A_99 = tpu.memref_slice %arg3[%dma_start3A_97, %dma_start3A_95, %dma_start3A_96, %dma_start3A_98] : memref<16x16x2x512xf32, #tpu.memory_space<hbm>> -> memref<16x1x1x512xf32, #tpu.memory_space<hbm>>
    %dma_start3A_100 = tpu.memref_squeeze %dma_start3A_99 : memref<16x1x1x512xf32, #tpu.memory_space<hbm>> -> memref<16x512xf32, #tpu.memory_space<hbm>>
    tpu.enqueue_dma source(%arg4 : memref<16x512xf32, #tpu.memory_space<vmem_shared>>) target(%dma_start3A_100 : memref<16x512xf32, #tpu.memory_space<hbm>>) target_semaphore(%arg8 : memref<!tpu.dma_semaphore, #tpu.memory_space<semaphore_mem>>)
    %dma_start3A_101 = arith.constant 1 : i32
    %dma_start3A_102 = arith.constant 0 : i32
    %dma_start3A_103 = arith.constant 0 : i32
    %dma_start3A_104 = arith.constant 0 : i32
    %dma_start3A_105 = tpu.memref_slice %arg3[%dma_start3A_103, %dma_start3A_101, %dma_start3A_102, %dma_start3A_104] : memref<16x16x2x512xf32, #tpu.memory_space<hbm>> -> memref<16x1x1x512xf32, #tpu.memory_space<hbm>>
    %dma_start3A_106 = tpu.memref_squeeze %dma_start3A_105 : memref<16x1x1x512xf32, #tpu.memory_space<hbm>> -> memref<16x512xf32, #tpu.memory_space<hbm>>
    tpu.enqueue_dma source(%arg4 : memref<16x512xf32, #tpu.memory_space<vmem_shared>>) target(%dma_start3A_106 : memref<16x512xf32, #tpu.memory_space<hbm>>) target_semaphore(%arg8 : memref<!tpu.dma_semaphore, #tpu.memory_space<semaphore_mem>>)
    %dma_start3A_107 = arith.constant 2 : i32
    %dma_start3A_108 = arith.constant 0 : i32
    %dma_start3A_109 = arith.constant 0 : i32
    %dma_start3A_110 = arith.constant 0 : i32
    %dma_start3A_111 = tpu.memref_slice %arg3[%dma_start3A_109, %dma_start3A_107, %dma_start3A_108, %dma_start3A_110] : memref<16x16x2x512xf32, #tpu.memory_space<hbm>> -> memref<16x1x1x512xf32, #tpu.memory_space<hbm>>
    %dma_start3A_112 = tpu.memref_squeeze %dma_start3A_111 : memref<16x1x1x512xf32, #tpu.memory_space<hbm>> -> memref<16x512xf32, #tpu.memory_space<hbm>>
    tpu.enqueue_dma source(%arg4 : memref<16x512xf32, #tpu.memory_space<vmem_shared>>) target(%dma_start3A_112 : memref<16x512xf32, #tpu.memory_space<hbm>>) target_semaphore(%arg8 : memref<!tpu.dma_semaphore, #tpu.memory_space<semaphore_mem>>)
    %dma_start3A_113 = arith.constant 3 : i32
    %dma_start3A_114 = arith.constant 0 : i32
    %dma_start3A_115 = arith.constant 0 : i32
    %dma_start3A_116 = arith.constant 0 : i32
    %dma_start3A_117 = tpu.memref_slice %arg3[%dma_start3A_115, %dma_start3A_113, %dma_start3A_114, %dma_start3A_116] : memref<16x16x2x512xf32, #tpu.memory_space<hbm>> -> memref<16x1x1x512xf32, #tpu.memory_space<hbm>>
    %dma_start3A_118 = tpu.memref_squeeze %dma_start3A_117 : memref<16x1x1x512xf32, #tpu.memory_space<hbm>> -> memref<16x512xf32, #tpu.memory_space<hbm>>
    tpu.enqueue_dma source(%arg4 : memref<16x512xf32, #tpu.memory_space<vmem_shared>>) target(%dma_start3A_118 : memref<16x512xf32, #tpu.memory_space<hbm>>) target_semaphore(%arg8 : memref<!tpu.dma_semaphore, #tpu.memory_space<semaphore_mem>>)
    %dma_start3A_119 = arith.constant 4 : i32
    %dma_start3A_120 = arith.constant 0 : i32
    %dma_start3A_121 = arith.constant 0 : i32
    %dma_start3A_122 = arith.constant 0 : i32
    %dma_start3A_123 = tpu.memref_slice %arg3[%dma_start3A_121, %dma_start3A_119, %dma_start3A_120, %dma_start3A_122] : memref<16x16x2x512xf32, #tpu.memory_space<hbm>> -> memref<16x1x1x512xf32, #tpu.memory_space<hbm>>
    %dma_start3A_124 = tpu.memref_squeeze %dma_start3A_123 : memref<16x1x1x512xf32, #tpu.memory_space<hbm>> -> memref<16x512xf32, #tpu.memory_space<hbm>>
    tpu.enqueue_dma source(%arg4 : memref<16x512xf32, #tpu.memory_space<vmem_shared>>) target(%dma_start3A_124 : memref<16x512xf32, #tpu.memory_space<hbm>>) target_semaphore(%arg8 : memref<!tpu.dma_semaphore, #tpu.memory_space<semaphore_mem>>)
    %dma_start3A_125 = arith.constant 5 : i32
    %dma_start3A_126 = arith.constant 0 : i32
    %dma_start3A_127 = arith.constant 0 : i32
    %dma_start3A_128 = arith.constant 0 : i32
    %dma_start3A_129 = tpu.memref_slice %arg3[%dma_start3A_127, %dma_start3A_125, %dma_start3A_126, %dma_start3A_128] : memref<16x16x2x512xf32, #tpu.memory_space<hbm>> -> memref<16x1x1x512xf32, #tpu.memory_space<hbm>>
    %dma_start3A_130 = tpu.memref_squeeze %dma_start3A_129 : memref<16x1x1x512xf32, #tpu.memory_space<hbm>> -> memref<16x512xf32, #tpu.memory_space<hbm>>
    tpu.enqueue_dma source(%arg4 : memref<16x512xf32, #tpu.memory_space<vmem_shared>>) target(%dma_start3A_130 : memref<16x512xf32, #tpu.memory_space<hbm>>) target_semaphore(%arg8 : memref<!tpu.dma_semaphore, #tpu.memory_space<semaphore_mem>>)
    %dma_start3A_131 = arith.constant 6 : i32
    %dma_start3A_132 = arith.constant 0 : i32
    %dma_start3A_133 = arith.constant 0 : i32
    %dma_start3A_134 = arith.constant 0 : i32
    %dma_start3A_135 = tpu.memref_slice %arg3[%dma_start3A_133, %dma_start3A_131, %dma_start3A_132, %dma_start3A_134] : memref<16x16x2x512xf32, #tpu.memory_space<hbm>> -> memref<16x1x1x512xf32, #tpu.memory_space<hbm>>
    %dma_start3A_136 = tpu.memref_squeeze %dma_start3A_135 : memref<16x1x1x512xf32, #tpu.memory_space<hbm>> -> memref<16x512xf32, #tpu.memory_space<hbm>>
    tpu.enqueue_dma source(%arg4 : memref<16x512xf32, #tpu.memory_space<vmem_shared>>) target(%dma_start3A_136 : memref<16x512xf32, #tpu.memory_space<hbm>>) target_semaphore(%arg8 : memref<!tpu.dma_semaphore, #tpu.memory_space<semaphore_mem>>)
    %dma_start3A_137 = arith.constant 7 : i32
    %dma_start3A_138 = arith.constant 0 : i32
    %dma_start3A_139 = arith.constant 0 : i32
    %dma_start3A_140 = arith.constant 0 : i32
    %dma_start3A_141 = tpu.memref_slice %arg3[%dma_start3A_139, %dma_start3A_137, %dma_start3A_138, %dma_start3A_140] : memref<16x16x2x512xf32, #tpu.memory_space<hbm>> -> memref<16x1x1x512xf32, #tpu.memory_space<hbm>>
    %dma_start3A_142 = tpu.memref_squeeze %dma_start3A_141 : memref<16x1x1x512xf32, #tpu.memory_space<hbm>> -> memref<16x512xf32, #tpu.memory_space<hbm>>
    tpu.enqueue_dma source(%arg4 : memref<16x512xf32, #tpu.memory_space<vmem_shared>>) target(%dma_start3A_142 : memref<16x512xf32, #tpu.memory_space<hbm>>) target_semaphore(%arg8 : memref<!tpu.dma_semaphore, #tpu.memory_space<semaphore_mem>>)
    %dma_start3A_143 = arith.constant 8 : i32
    %dma_start3A_144 = arith.constant 0 : i32
    %dma_start3A_145 = arith.constant 0 : i32
    %dma_start3A_146 = arith.constant 0 : i32
    %dma_start3A_147 = tpu.memref_slice %arg3[%dma_start3A_145, %dma_start3A_143, %dma_start3A_144, %dma_start3A_146] : memref<16x16x2x512xf32, #tpu.memory_space<hbm>> -> memref<16x1x1x512xf32, #tpu.memory_space<hbm>>
    %dma_start3A_148 = tpu.memref_squeeze %dma_start3A_147 : memref<16x1x1x512xf32, #tpu.memory_space<hbm>> -> memref<16x512xf32, #tpu.memory_space<hbm>>
    tpu.enqueue_dma source(%arg4 : memref<16x512xf32, #tpu.memory_space<vmem_shared>>) target(%dma_start3A_148 : memref<16x512xf32, #tpu.memory_space<hbm>>) target_semaphore(%arg8 : memref<!tpu.dma_semaphore, #tpu.memory_space<semaphore_mem>>)
    %dma_start3A_149 = arith.constant 9 : i32
    %dma_start3A_150 = arith.constant 0 : i32
    %dma_start3A_151 = arith.constant 0 : i32
    %dma_start3A_152 = arith.constant 0 : i32
    %dma_start3A_153 = tpu.memref_slice %arg3[%dma_start3A_151, %dma_start3A_149, %dma_start3A_150, %dma_start3A_152] : memref<16x16x2x512xf32, #tpu.memory_space<hbm>> -> memref<16x1x1x512xf32, #tpu.memory_space<hbm>>
    %dma_start3A_154 = tpu.memref_squeeze %dma_start3A_153 : memref<16x1x1x512xf32, #tpu.memory_space<hbm>> -> memref<16x512xf32, #tpu.memory_space<hbm>>
    tpu.enqueue_dma source(%arg4 : memref<16x512xf32, #tpu.memory_space<vmem_shared>>) target(%dma_start3A_154 : memref<16x512xf32, #tpu.memory_space<hbm>>) target_semaphore(%arg8 : memref<!tpu.dma_semaphore, #tpu.memory_space<semaphore_mem>>)
    %dma_start3A_155 = arith.constant 10 : i32
    %dma_start3A_156 = arith.constant 0 : i32
    %dma_start3A_157 = arith.constant 0 : i32
    %dma_start3A_158 = arith.constant 0 : i32
    %dma_start3A_159 = tpu.memref_slice %arg3[%dma_start3A_157, %dma_start3A_155, %dma_start3A_156, %dma_start3A_158] : memref<16x16x2x512xf32, #tpu.memory_space<hbm>> -> memref<16x1x1x512xf32, #tpu.memory_space<hbm>>
    %dma_start3A_160 = tpu.memref_squeeze %dma_start3A_159 : memref<16x1x1x512xf32, #tpu.memory_space<hbm>> -> memref<16x512xf32, #tpu.memory_space<hbm>>
    tpu.enqueue_dma source(%arg4 : memref<16x512xf32, #tpu.memory_space<vmem_shared>>) target(%dma_start3A_160 : memref<16x512xf32, #tpu.memory_space<hbm>>) target_semaphore(%arg8 : memref<!tpu.dma_semaphore, #tpu.memory_space<semaphore_mem>>)
    %dma_start3A_161 = arith.constant 11 : i32
    %dma_start3A_162 = arith.constant 0 : i32
    %dma_start3A_163 = arith.constant 0 : i32
    %dma_start3A_164 = arith.constant 0 : i32
    %dma_start3A_165 = tpu.memref_slice %arg3[%dma_start3A_163, %dma_start3A_161, %dma_start3A_162, %dma_start3A_164] : memref<16x16x2x512xf32, #tpu.memory_space<hbm>> -> memref<16x1x1x512xf32, #tpu.memory_space<hbm>>
    %dma_start3A_166 = tpu.memref_squeeze %dma_start3A_165 : memref<16x1x1x512xf32, #tpu.memory_space<hbm>> -> memref<16x512xf32, #tpu.memory_space<hbm>>
    tpu.enqueue_dma source(%arg4 : memref<16x512xf32, #tpu.memory_space<vmem_shared>>) target(%dma_start3A_166 : memref<16x512xf32, #tpu.memory_space<hbm>>) target_semaphore(%arg8 : memref<!tpu.dma_semaphore, #tpu.memory_space<semaphore_mem>>)
    %dma_start3A_167 = arith.constant 12 : i32
    %dma_start3A_168 = arith.constant 0 : i32
    %dma_start3A_169 = arith.constant 0 : i32
    %dma_start3A_170 = arith.constant 0 : i32
    %dma_start3A_171 = tpu.memref_slice %arg3[%dma_start3A_169, %dma_start3A_167, %dma_start3A_168, %dma_start3A_170] : memref<16x16x2x512xf32, #tpu.memory_space<hbm>> -> memref<16x1x1x512xf32, #tpu.memory_space<hbm>>
    %dma_start3A_172 = tpu.memref_squeeze %dma_start3A_171 : memref<16x1x1x512xf32, #tpu.memory_space<hbm>> -> memref<16x512xf32, #tpu.memory_space<hbm>>
    tpu.enqueue_dma source(%arg4 : memref<16x512xf32, #tpu.memory_space<vmem_shared>>) target(%dma_start3A_172 : memref<16x512xf32, #tpu.memory_space<hbm>>) target_semaphore(%arg8 : memref<!tpu.dma_semaphore, #tpu.memory_space<semaphore_mem>>)
    %dma_start3A_173 = arith.constant 13 : i32
    %dma_start3A_174 = arith.constant 0 : i32
    %dma_start3A_175 = arith.constant 0 : i32
    %dma_start3A_176 = arith.constant 0 : i32
    %dma_start3A_177 = tpu.memref_slice %arg3[%dma_start3A_175, %dma_start3A_173, %dma_start3A_174, %dma_start3A_176] : memref<16x16x2x512xf32, #tpu.memory_space<hbm>> -> memref<16x1x1x512xf32, #tpu.memory_space<hbm>>
    %dma_start3A_178 = tpu.memref_squeeze %dma_start3A_177 : memref<16x1x1x512xf32, #tpu.memory_space<hbm>> -> memref<16x512xf32, #tpu.memory_space<hbm>>
    tpu.enqueue_dma source(%arg4 : memref<16x512xf32, #tpu.memory_space<vmem_shared>>) target(%dma_start3A_178 : memref<16x512xf32, #tpu.memory_space<hbm>>) target_semaphore(%arg8 : memref<!tpu.dma_semaphore, #tpu.memory_space<semaphore_mem>>)
    %dma_start3A_179 = arith.constant 14 : i32
    %dma_start3A_180 = arith.constant 0 : i32
    %dma_start3A_181 = arith.constant 0 : i32
    %dma_start3A_182 = arith.constant 0 : i32
    %dma_start3A_183 = tpu.memref_slice %arg3[%dma_start3A_181, %dma_start3A_179, %dma_start3A_180, %dma_start3A_182] : memref<16x16x2x512xf32, #tpu.memory_space<hbm>> -> memref<16x1x1x512xf32, #tpu.memory_space<hbm>>
    %dma_start3A_184 = tpu.memref_squeeze %dma_start3A_183 : memref<16x1x1x512xf32, #tpu.memory_space<hbm>> -> memref<16x512xf32, #tpu.memory_space<hbm>>
    tpu.enqueue_dma source(%arg4 : memref<16x512xf32, #tpu.memory_space<vmem_shared>>) target(%dma_start3A_184 : memref<16x512xf32, #tpu.memory_space<hbm>>) target_semaphore(%arg8 : memref<!tpu.dma_semaphore, #tpu.memory_space<semaphore_mem>>)
    %dma_start3A_185 = arith.constant 15 : i32
    %dma_start3A_186 = arith.constant 0 : i32
    %dma_start3A_187 = arith.constant 0 : i32
    %dma_start3A_188 = arith.constant 0 : i32
    %dma_start3A_189 = tpu.memref_slice %arg3[%dma_start3A_187, %dma_start3A_185, %dma_start3A_186, %dma_start3A_188] : memref<16x16x2x512xf32, #tpu.memory_space<hbm>> -> memref<16x1x1x512xf32, #tpu.memory_space<hbm>>
    %dma_start3A_190 = tpu.memref_squeeze %dma_start3A_189 : memref<16x1x1x512xf32, #tpu.memory_space<hbm>> -> memref<16x512xf32, #tpu.memory_space<hbm>>
    tpu.enqueue_dma source(%arg4 : memref<16x512xf32, #tpu.memory_space<vmem_shared>>) target(%dma_start3A_190 : memref<16x512xf32, #tpu.memory_space<hbm>>) target_semaphore(%arg8 : memref<!tpu.dma_semaphore, #tpu.memory_space<semaphore_mem>>)
    %dma_wait3A = arith.constant 0 : i32
    %dma_wait3A_191 = arith.constant 1 : i32
    %dma_wait3A_192 = arith.constant 0 : i32
    %dma_wait3A_193 = arith.constant 0 : i32
    %dma_wait3A_194 = tpu.memref_slice %arg3[%dma_wait3A, %dma_wait3A_192, %dma_wait3A_191, %dma_wait3A_193] : memref<16x16x2x512xf32, #tpu.memory_space<hbm>> -> memref<1x16x1x512xf32, #tpu.memory_space<hbm>>
    %dma_wait3A_195 = tpu.memref_squeeze %dma_wait3A_194 : memref<1x16x1x512xf32, #tpu.memory_space<hbm>> -> memref<16x512xf32, #tpu.memory_space<hbm>>
    tpu.wait_dma2 semaphore(%arg8 : memref<!tpu.dma_semaphore, #tpu.memory_space<semaphore_mem>>) src(%arg5 : memref<16x512xf32, #tpu.memory_space<vmem_shared>>) dst(%dma_wait3A_195 : memref<16x512xf32, #tpu.memory_space<hbm>>)
    %dma_wait3A_196 = arith.constant 1 : i32
    %dma_wait3A_197 = arith.constant 1 : i32
    %dma_wait3A_198 = arith.constant 0 : i32
    %dma_wait3A_199 = arith.constant 0 : i32
    %dma_wait3A_200 = tpu.memref_slice %arg3[%dma_wait3A_196, %dma_wait3A_198, %dma_wait3A_197, %dma_wait3A_199] : memref<16x16x2x512xf32, #tpu.memory_space<hbm>> -> memref<1x16x1x512xf32, #tpu.memory_space<hbm>>
    %dma_wait3A_201 = tpu.memref_squeeze %dma_wait3A_200 : memref<1x16x1x512xf32, #tpu.memory_space<hbm>> -> memref<16x512xf32, #tpu.memory_space<hbm>>
    tpu.wait_dma2 semaphore(%arg8 : memref<!tpu.dma_semaphore, #tpu.memory_space<semaphore_mem>>) src(%arg5 : memref<16x512xf32, #tpu.memory_space<vmem_shared>>) dst(%dma_wait3A_201 : memref<16x512xf32, #tpu.memory_space<hbm>>)
    %dma_wait3A_202 = arith.constant 2 : i32
    %dma_wait3A_203 = arith.constant 1 : i32
    %dma_wait3A_204 = arith.constant 0 : i32
    %dma_wait3A_205 = arith.constant 0 : i32
    %dma_wait3A_206 = tpu.memref_slice %arg3[%dma_wait3A_202, %dma_wait3A_204, %dma_wait3A_203, %dma_wait3A_205] : memref<16x16x2x512xf32, #tpu.memory_space<hbm>> -> memref<1x16x1x512xf32, #tpu.memory_space<hbm>>
    %dma_wait3A_207 = tpu.memref_squeeze %dma_wait3A_206 : memref<1x16x1x512xf32, #tpu.memory_space<hbm>> -> memref<16x512xf32, #tpu.memory_space<hbm>>
    tpu.wait_dma2 semaphore(%arg8 : memref<!tpu.dma_semaphore, #tpu.memory_space<semaphore_mem>>) src(%arg5 : memref<16x512xf32, #tpu.memory_space<vmem_shared>>) dst(%dma_wait3A_207 : memref<16x512xf32, #tpu.memory_space<hbm>>)
    %dma_wait3A_208 = arith.constant 3 : i32
    %dma_wait3A_209 = arith.constant 1 : i32
    %dma_wait3A_210 = arith.constant 0 : i32
    %dma_wait3A_211 = arith.constant 0 : i32
    %dma_wait3A_212 = tpu.memref_slice %arg3[%dma_wait3A_208, %dma_wait3A_210, %dma_wait3A_209, %dma_wait3A_211] : memref<16x16x2x512xf32, #tpu.memory_space<hbm>> -> memref<1x16x1x512xf32, #tpu.memory_space<hbm>>
    %dma_wait3A_213 = tpu.memref_squeeze %dma_wait3A_212 : memref<1x16x1x512xf32, #tpu.memory_space<hbm>> -> memref<16x512xf32, #tpu.memory_space<hbm>>
    tpu.wait_dma2 semaphore(%arg8 : memref<!tpu.dma_semaphore, #tpu.memory_space<semaphore_mem>>) src(%arg5 : memref<16x512xf32, #tpu.memory_space<vmem_shared>>) dst(%dma_wait3A_213 : memref<16x512xf32, #tpu.memory_space<hbm>>)
    %dma_wait3A_214 = arith.constant 4 : i32
    %dma_wait3A_215 = arith.constant 1 : i32
    %dma_wait3A_216 = arith.constant 0 : i32
    %dma_wait3A_217 = arith.constant 0 : i32
    %dma_wait3A_218 = tpu.memref_slice %arg3[%dma_wait3A_214, %dma_wait3A_216, %dma_wait3A_215, %dma_wait3A_217] : memref<16x16x2x512xf32, #tpu.memory_space<hbm>> -> memref<1x16x1x512xf32, #tpu.memory_space<hbm>>
    %dma_wait3A_219 = tpu.memref_squeeze %dma_wait3A_218 : memref<1x16x1x512xf32, #tpu.memory_space<hbm>> -> memref<16x512xf32, #tpu.memory_space<hbm>>
    tpu.wait_dma2 semaphore(%arg8 : memref<!tpu.dma_semaphore, #tpu.memory_space<semaphore_mem>>) src(%arg5 : memref<16x512xf32, #tpu.memory_space<vmem_shared>>) dst(%dma_wait3A_219 : memref<16x512xf32, #tpu.memory_space<hbm>>)
    %dma_wait3A_220 = arith.constant 5 : i32
    %dma_wait3A_221 = arith.constant 1 : i32
    %dma_wait3A_222 = arith.constant 0 : i32
    %dma_wait3A_223 = arith.constant 0 : i32
    %dma_wait3A_224 = tpu.memref_slice %arg3[%dma_wait3A_220, %dma_wait3A_222, %dma_wait3A_221, %dma_wait3A_223] : memref<16x16x2x512xf32, #tpu.memory_space<hbm>> -> memref<1x16x1x512xf32, #tpu.memory_space<hbm>>
    %dma_wait3A_225 = tpu.memref_squeeze %dma_wait3A_224 : memref<1x16x1x512xf32, #tpu.memory_space<hbm>> -> memref<16x512xf32, #tpu.memory_space<hbm>>
    tpu.wait_dma2 semaphore(%arg8 : memref<!tpu.dma_semaphore, #tpu.memory_space<semaphore_mem>>) src(%arg5 : memref<16x512xf32, #tpu.memory_space<vmem_shared>>) dst(%dma_wait3A_225 : memref<16x512xf32, #tpu.memory_space<hbm>>)
    %dma_wait3A_226 = arith.constant 6 : i32
    %dma_wait3A_227 = arith.constant 1 : i32
    %dma_wait3A_228 = arith.constant 0 : i32
    %dma_wait3A_229 = arith.constant 0 : i32
    %dma_wait3A_230 = tpu.memref_slice %arg3[%dma_wait3A_226, %dma_wait3A_228, %dma_wait3A_227, %dma_wait3A_229] : memref<16x16x2x512xf32, #tpu.memory_space<hbm>> -> memref<1x16x1x512xf32, #tpu.memory_space<hbm>>
    %dma_wait3A_231 = tpu.memref_squeeze %dma_wait3A_230 : memref<1x16x1x512xf32, #tpu.memory_space<hbm>> -> memref<16x512xf32, #tpu.memory_space<hbm>>
    tpu.wait_dma2 semaphore(%arg8 : memref<!tpu.dma_semaphore, #tpu.memory_space<semaphore_mem>>) src(%arg5 : memref<16x512xf32, #tpu.memory_space<vmem_shared>>) dst(%dma_wait3A_231 : memref<16x512xf32, #tpu.memory_space<hbm>>)
    %dma_wait3A_232 = arith.constant 7 : i32
    %dma_wait3A_233 = arith.constant 1 : i32
    %dma_wait3A_234 = arith.constant 0 : i32
    %dma_wait3A_235 = arith.constant 0 : i32
    %dma_wait3A_236 = tpu.memref_slice %arg3[%dma_wait3A_232, %dma_wait3A_234, %dma_wait3A_233, %dma_wait3A_235] : memref<16x16x2x512xf32, #tpu.memory_space<hbm>> -> memref<1x16x1x512xf32, #tpu.memory_space<hbm>>
    %dma_wait3A_237 = tpu.memref_squeeze %dma_wait3A_236 : memref<1x16x1x512xf32, #tpu.memory_space<hbm>> -> memref<16x512xf32, #tpu.memory_space<hbm>>
    tpu.wait_dma2 semaphore(%arg8 : memref<!tpu.dma_semaphore, #tpu.memory_space<semaphore_mem>>) src(%arg5 : memref<16x512xf32, #tpu.memory_space<vmem_shared>>) dst(%dma_wait3A_237 : memref<16x512xf32, #tpu.memory_space<hbm>>)
    %dma_wait3A_238 = arith.constant 8 : i32
    %dma_wait3A_239 = arith.constant 1 : i32
    %dma_wait3A_240 = arith.constant 0 : i32
    %dma_wait3A_241 = arith.constant 0 : i32
    %dma_wait3A_242 = tpu.memref_slice %arg3[%dma_wait3A_238, %dma_wait3A_240, %dma_wait3A_239, %dma_wait3A_241] : memref<16x16x2x512xf32, #tpu.memory_space<hbm>> -> memref<1x16x1x512xf32, #tpu.memory_space<hbm>>
    %dma_wait3A_243 = tpu.memref_squeeze %dma_wait3A_242 : memref<1x16x1x512xf32, #tpu.memory_space<hbm>> -> memref<16x512xf32, #tpu.memory_space<hbm>>
    tpu.wait_dma2 semaphore(%arg8 : memref<!tpu.dma_semaphore, #tpu.memory_space<semaphore_mem>>) src(%arg5 : memref<16x512xf32, #tpu.memory_space<vmem_shared>>) dst(%dma_wait3A_243 : memref<16x512xf32, #tpu.memory_space<hbm>>)
    %dma_wait3A_244 = arith.constant 9 : i32
    %dma_wait3A_245 = arith.constant 1 : i32
    %dma_wait3A_246 = arith.constant 0 : i32
    %dma_wait3A_247 = arith.constant 0 : i32
    %dma_wait3A_248 = tpu.memref_slice %arg3[%dma_wait3A_244, %dma_wait3A_246, %dma_wait3A_245, %dma_wait3A_247] : memref<16x16x2x512xf32, #tpu.memory_space<hbm>> -> memref<1x16x1x512xf32, #tpu.memory_space<hbm>>
    %dma_wait3A_249 = tpu.memref_squeeze %dma_wait3A_248 : memref<1x16x1x512xf32, #tpu.memory_space<hbm>> -> memref<16x512xf32, #tpu.memory_space<hbm>>
    tpu.wait_dma2 semaphore(%arg8 : memref<!tpu.dma_semaphore, #tpu.memory_space<semaphore_mem>>) src(%arg5 : memref<16x512xf32, #tpu.memory_space<vmem_shared>>) dst(%dma_wait3A_249 : memref<16x512xf32, #tpu.memory_space<hbm>>)
    %dma_wait3A_250 = arith.constant 10 : i32
    %dma_wait3A_251 = arith.constant 1 : i32
    %dma_wait3A_252 = arith.constant 0 : i32
    %dma_wait3A_253 = arith.constant 0 : i32
    %dma_wait3A_254 = tpu.memref_slice %arg3[%dma_wait3A_250, %dma_wait3A_252, %dma_wait3A_251, %dma_wait3A_253] : memref<16x16x2x512xf32, #tpu.memory_space<hbm>> -> memref<1x16x1x512xf32, #tpu.memory_space<hbm>>
    %dma_wait3A_255 = tpu.memref_squeeze %dma_wait3A_254 : memref<1x16x1x512xf32, #tpu.memory_space<hbm>> -> memref<16x512xf32, #tpu.memory_space<hbm>>
    tpu.wait_dma2 semaphore(%arg8 : memref<!tpu.dma_semaphore, #tpu.memory_space<semaphore_mem>>) src(%arg5 : memref<16x512xf32, #tpu.memory_space<vmem_shared>>) dst(%dma_wait3A_255 : memref<16x512xf32, #tpu.memory_space<hbm>>)
    %dma_wait3A_256 = arith.constant 11 : i32
    %dma_wait3A_257 = arith.constant 1 : i32
    %dma_wait3A_258 = arith.constant 0 : i32
    %dma_wait3A_259 = arith.constant 0 : i32
    %dma_wait3A_260 = tpu.memref_slice %arg3[%dma_wait3A_256, %dma_wait3A_258, %dma_wait3A_257, %dma_wait3A_259] : memref<16x16x2x512xf32, #tpu.memory_space<hbm>> -> memref<1x16x1x512xf32, #tpu.memory_space<hbm>>
    %dma_wait3A_261 = tpu.memref_squeeze %dma_wait3A_260 : memref<1x16x1x512xf32, #tpu.memory_space<hbm>> -> memref<16x512xf32, #tpu.memory_space<hbm>>
    tpu.wait_dma2 semaphore(%arg8 : memref<!tpu.dma_semaphore, #tpu.memory_space<semaphore_mem>>) src(%arg5 : memref<16x512xf32, #tpu.memory_space<vmem_shared>>) dst(%dma_wait3A_261 : memref<16x512xf32, #tpu.memory_space<hbm>>)
    %dma_wait3A_262 = arith.constant 12 : i32
    %dma_wait3A_263 = arith.constant 1 : i32
    %dma_wait3A_264 = arith.constant 0 : i32
    %dma_wait3A_265 = arith.constant 0 : i32
    %dma_wait3A_266 = tpu.memref_slice %arg3[%dma_wait3A_262, %dma_wait3A_264, %dma_wait3A_263, %dma_wait3A_265] : memref<16x16x2x512xf32, #tpu.memory_space<hbm>> -> memref<1x16x1x512xf32, #tpu.memory_space<hbm>>
    %dma_wait3A_267 = tpu.memref_squeeze %dma_wait3A_266 : memref<1x16x1x512xf32, #tpu.memory_space<hbm>> -> memref<16x512xf32, #tpu.memory_space<hbm>>
    tpu.wait_dma2 semaphore(%arg8 : memref<!tpu.dma_semaphore, #tpu.memory_space<semaphore_mem>>) src(%arg5 : memref<16x512xf32, #tpu.memory_space<vmem_shared>>) dst(%dma_wait3A_267 : memref<16x512xf32, #tpu.memory_space<hbm>>)
    %dma_wait3A_268 = arith.constant 13 : i32
    %dma_wait3A_269 = arith.constant 1 : i32
    %dma_wait3A_270 = arith.constant 0 : i32
    %dma_wait3A_271 = arith.constant 0 : i32
    %dma_wait3A_272 = tpu.memref_slice %arg3[%dma_wait3A_268, %dma_wait3A_270, %dma_wait3A_269, %dma_wait3A_271] : memref<16x16x2x512xf32, #tpu.memory_space<hbm>> -> memref<1x16x1x512xf32, #tpu.memory_space<hbm>>
    %dma_wait3A_273 = tpu.memref_squeeze %dma_wait3A_272 : memref<1x16x1x512xf32, #tpu.memory_space<hbm>> -> memref<16x512xf32, #tpu.memory_space<hbm>>
    tpu.wait_dma2 semaphore(%arg8 : memref<!tpu.dma_semaphore, #tpu.memory_space<semaphore_mem>>) src(%arg5 : memref<16x512xf32, #tpu.memory_space<vmem_shared>>) dst(%dma_wait3A_273 : memref<16x512xf32, #tpu.memory_space<hbm>>)
    %dma_wait3A_274 = arith.constant 14 : i32
    %dma_wait3A_275 = arith.constant 1 : i32
    %dma_wait3A_276 = arith.constant 0 : i32
    %dma_wait3A_277 = arith.constant 0 : i32
    %dma_wait3A_278 = tpu.memref_slice %arg3[%dma_wait3A_274, %dma_wait3A_276, %dma_wait3A_275, %dma_wait3A_277] : memref<16x16x2x512xf32, #tpu.memory_space<hbm>> -> memref<1x16x1x512xf32, #tpu.memory_space<hbm>>
    %dma_wait3A_279 = tpu.memref_squeeze %dma_wait3A_278 : memref<1x16x1x512xf32, #tpu.memory_space<hbm>> -> memref<16x512xf32, #tpu.memory_space<hbm>>
    tpu.wait_dma2 semaphore(%arg8 : memref<!tpu.dma_semaphore, #tpu.memory_space<semaphore_mem>>) src(%arg5 : memref<16x512xf32, #tpu.memory_space<vmem_shared>>) dst(%dma_wait3A_279 : memref<16x512xf32, #tpu.memory_space<hbm>>)
    %dma_wait3A_280 = arith.constant 15 : i32
    %dma_wait3A_281 = arith.constant 1 : i32
    %dma_wait3A_282 = arith.constant 0 : i32
    %dma_wait3A_283 = arith.constant 0 : i32
    %dma_wait3A_284 = tpu.memref_slice %arg3[%dma_wait3A_280, %dma_wait3A_282, %dma_wait3A_281, %dma_wait3A_283] : memref<16x16x2x512xf32, #tpu.memory_space<hbm>> -> memref<1x16x1x512xf32, #tpu.memory_space<hbm>>
    %dma_wait3A_285 = tpu.memref_squeeze %dma_wait3A_284 : memref<1x16x1x512xf32, #tpu.memory_space<hbm>> -> memref<16x512xf32, #tpu.memory_space<hbm>>
    tpu.wait_dma2 semaphore(%arg8 : memref<!tpu.dma_semaphore, #tpu.memory_space<semaphore_mem>>) src(%arg5 : memref<16x512xf32, #tpu.memory_space<vmem_shared>>) dst(%dma_wait3A_285 : memref<16x512xf32, #tpu.memory_space<hbm>>)
    %dma_wait3A_286 = arith.constant 0 : i32
    %dma_wait3A_287 = arith.constant 0 : i32
    %dma_wait3A_288 = arith.constant 0 : i32
    %dma_wait3A_289 = arith.constant 0 : i32
    %dma_wait3A_290 = tpu.memref_slice %arg3[%dma_wait3A_288, %dma_wait3A_286, %dma_wait3A_287, %dma_wait3A_289] : memref<16x16x2x512xf32, #tpu.memory_space<hbm>> -> memref<16x1x1x512xf32, #tpu.memory_space<hbm>>
    %dma_wait3A_291 = tpu.memref_squeeze %dma_wait3A_290 : memref<16x1x1x512xf32, #tpu.memory_space<hbm>> -> memref<16x512xf32, #tpu.memory_space<hbm>>
    tpu.wait_dma2 semaphore(%arg8 : memref<!tpu.dma_semaphore, #tpu.memory_space<semaphore_mem>>) src(%arg4 : memref<16x512xf32, #tpu.memory_space<vmem_shared>>) dst(%dma_wait3A_291 : memref<16x512xf32, #tpu.memory_space<hbm>>)
    %dma_wait3A_292 = arith.constant 1 : i32
    %dma_wait3A_293 = arith.constant 0 : i32
    %dma_wait3A_294 = arith.constant 0 : i32
    %dma_wait3A_295 = arith.constant 0 : i32
    %dma_wait3A_296 = tpu.memref_slice %arg3[%dma_wait3A_294, %dma_wait3A_292, %dma_wait3A_293, %dma_wait3A_295] : memref<16x16x2x512xf32, #tpu.memory_space<hbm>> -> memref<16x1x1x512xf32, #tpu.memory_space<hbm>>
    %dma_wait3A_297 = tpu.memref_squeeze %dma_wait3A_296 : memref<16x1x1x512xf32, #tpu.memory_space<hbm>> -> memref<16x512xf32, #tpu.memory_space<hbm>>
    tpu.wait_dma2 semaphore(%arg8 : memref<!tpu.dma_semaphore, #tpu.memory_space<semaphore_mem>>) src(%arg4 : memref<16x512xf32, #tpu.memory_space<vmem_shared>>) dst(%dma_wait3A_297 : memref<16x512xf32, #tpu.memory_space<hbm>>)
    %dma_wait3A_298 = arith.constant 2 : i32
    %dma_wait3A_299 = arith.constant 0 : i32
    %dma_wait3A_300 = arith.constant 0 : i32
    %dma_wait3A_301 = arith.constant 0 : i32
    %dma_wait3A_302 = tpu.memref_slice %arg3[%dma_wait3A_300, %dma_wait3A_298, %dma_wait3A_299, %dma_wait3A_301] : memref<16x16x2x512xf32, #tpu.memory_space<hbm>> -> memref<16x1x1x512xf32, #tpu.memory_space<hbm>>
    %dma_wait3A_303 = tpu.memref_squeeze %dma_wait3A_302 : memref<16x1x1x512xf32, #tpu.memory_space<hbm>> -> memref<16x512xf32, #tpu.memory_space<hbm>>
    tpu.wait_dma2 semaphore(%arg8 : memref<!tpu.dma_semaphore, #tpu.memory_space<semaphore_mem>>) src(%arg4 : memref<16x512xf32, #tpu.memory_space<vmem_shared>>) dst(%dma_wait3A_303 : memref<16x512xf32, #tpu.memory_space<hbm>>)
    %dma_wait3A_304 = arith.constant 3 : i32
    %dma_wait3A_305 = arith.constant 0 : i32
    %dma_wait3A_306 = arith.constant 0 : i32
    %dma_wait3A_307 = arith.constant 0 : i32
    %dma_wait3A_308 = tpu.memref_slice %arg3[%dma_wait3A_306, %dma_wait3A_304, %dma_wait3A_305, %dma_wait3A_307] : memref<16x16x2x512xf32, #tpu.memory_space<hbm>> -> memref<16x1x1x512xf32, #tpu.memory_space<hbm>>
    %dma_wait3A_309 = tpu.memref_squeeze %dma_wait3A_308 : memref<16x1x1x512xf32, #tpu.memory_space<hbm>> -> memref<16x512xf32, #tpu.memory_space<hbm>>
    tpu.wait_dma2 semaphore(%arg8 : memref<!tpu.dma_semaphore, #tpu.memory_space<semaphore_mem>>) src(%arg4 : memref<16x512xf32, #tpu.memory_space<vmem_shared>>) dst(%dma_wait3A_309 : memref<16x512xf32, #tpu.memory_space<hbm>>)
    %dma_wait3A_310 = arith.constant 4 : i32
    %dma_wait3A_311 = arith.constant 0 : i32
    %dma_wait3A_312 = arith.constant 0 : i32
    %dma_wait3A_313 = arith.constant 0 : i32
    %dma_wait3A_314 = tpu.memref_slice %arg3[%dma_wait3A_312, %dma_wait3A_310, %dma_wait3A_311, %dma_wait3A_313] : memref<16x16x2x512xf32, #tpu.memory_space<hbm>> -> memref<16x1x1x512xf32, #tpu.memory_space<hbm>>
    %dma_wait3A_315 = tpu.memref_squeeze %dma_wait3A_314 : memref<16x1x1x512xf32, #tpu.memory_space<hbm>> -> memref<16x512xf32, #tpu.memory_space<hbm>>
    tpu.wait_dma2 semaphore(%arg8 : memref<!tpu.dma_semaphore, #tpu.memory_space<semaphore_mem>>) src(%arg4 : memref<16x512xf32, #tpu.memory_space<vmem_shared>>) dst(%dma_wait3A_315 : memref<16x512xf32, #tpu.memory_space<hbm>>)
    %dma_wait3A_316 = arith.constant 5 : i32
    %dma_wait3A_317 = arith.constant 0 : i32
    %dma_wait3A_318 = arith.constant 0 : i32
    %dma_wait3A_319 = arith.constant 0 : i32
    %dma_wait3A_320 = tpu.memref_slice %arg3[%dma_wait3A_318, %dma_wait3A_316, %dma_wait3A_317, %dma_wait3A_319] : memref<16x16x2x512xf32, #tpu.memory_space<hbm>> -> memref<16x1x1x512xf32, #tpu.memory_space<hbm>>
    %dma_wait3A_321 = tpu.memref_squeeze %dma_wait3A_320 : memref<16x1x1x512xf32, #tpu.memory_space<hbm>> -> memref<16x512xf32, #tpu.memory_space<hbm>>
    tpu.wait_dma2 semaphore(%arg8 : memref<!tpu.dma_semaphore, #tpu.memory_space<semaphore_mem>>) src(%arg4 : memref<16x512xf32, #tpu.memory_space<vmem_shared>>) dst(%dma_wait3A_321 : memref<16x512xf32, #tpu.memory_space<hbm>>)
    %dma_wait3A_322 = arith.constant 6 : i32
    %dma_wait3A_323 = arith.constant 0 : i32
    %dma_wait3A_324 = arith.constant 0 : i32
    %dma_wait3A_325 = arith.constant 0 : i32
    %dma_wait3A_326 = tpu.memref_slice %arg3[%dma_wait3A_324, %dma_wait3A_322, %dma_wait3A_323, %dma_wait3A_325] : memref<16x16x2x512xf32, #tpu.memory_space<hbm>> -> memref<16x1x1x512xf32, #tpu.memory_space<hbm>>
    %dma_wait3A_327 = tpu.memref_squeeze %dma_wait3A_326 : memref<16x1x1x512xf32, #tpu.memory_space<hbm>> -> memref<16x512xf32, #tpu.memory_space<hbm>>
    tpu.wait_dma2 semaphore(%arg8 : memref<!tpu.dma_semaphore, #tpu.memory_space<semaphore_mem>>) src(%arg4 : memref<16x512xf32, #tpu.memory_space<vmem_shared>>) dst(%dma_wait3A_327 : memref<16x512xf32, #tpu.memory_space<hbm>>)
    %dma_wait3A_328 = arith.constant 7 : i32
    %dma_wait3A_329 = arith.constant 0 : i32
    %dma_wait3A_330 = arith.constant 0 : i32
    %dma_wait3A_331 = arith.constant 0 : i32
    %dma_wait3A_332 = tpu.memref_slice %arg3[%dma_wait3A_330, %dma_wait3A_328, %dma_wait3A_329, %dma_wait3A_331] : memref<16x16x2x512xf32, #tpu.memory_space<hbm>> -> memref<16x1x1x512xf32, #tpu.memory_space<hbm>>
    %dma_wait3A_333 = tpu.memref_squeeze %dma_wait3A_332 : memref<16x1x1x512xf32, #tpu.memory_space<hbm>> -> memref<16x512xf32, #tpu.memory_space<hbm>>
    tpu.wait_dma2 semaphore(%arg8 : memref<!tpu.dma_semaphore, #tpu.memory_space<semaphore_mem>>) src(%arg4 : memref<16x512xf32, #tpu.memory_space<vmem_shared>>) dst(%dma_wait3A_333 : memref<16x512xf32, #tpu.memory_space<hbm>>)
    %dma_wait3A_334 = arith.constant 8 : i32
    %dma_wait3A_335 = arith.constant 0 : i32
    %dma_wait3A_336 = arith.constant 0 : i32
    %dma_wait3A_337 = arith.constant 0 : i32
    %dma_wait3A_338 = tpu.memref_slice %arg3[%dma_wait3A_336, %dma_wait3A_334, %dma_wait3A_335, %dma_wait3A_337] : memref<16x16x2x512xf32, #tpu.memory_space<hbm>> -> memref<16x1x1x512xf32, #tpu.memory_space<hbm>>
    %dma_wait3A_339 = tpu.memref_squeeze %dma_wait3A_338 : memref<16x1x1x512xf32, #tpu.memory_space<hbm>> -> memref<16x512xf32, #tpu.memory_space<hbm>>
    tpu.wait_dma2 semaphore(%arg8 : memref<!tpu.dma_semaphore, #tpu.memory_space<semaphore_mem>>) src(%arg4 : memref<16x512xf32, #tpu.memory_space<vmem_shared>>) dst(%dma_wait3A_339 : memref<16x512xf32, #tpu.memory_space<hbm>>)
    %dma_wait3A_340 = arith.constant 9 : i32
    %dma_wait3A_341 = arith.constant 0 : i32
    %dma_wait3A_342 = arith.constant 0 : i32
    %dma_wait3A_343 = arith.constant 0 : i32
    %dma_wait3A_344 = tpu.memref_slice %arg3[%dma_wait3A_342, %dma_wait3A_340, %dma_wait3A_341, %dma_wait3A_343] : memref<16x16x2x512xf32, #tpu.memory_space<hbm>> -> memref<16x1x1x512xf32, #tpu.memory_space<hbm>>
    %dma_wait3A_345 = tpu.memref_squeeze %dma_wait3A_344 : memref<16x1x1x512xf32, #tpu.memory_space<hbm>> -> memref<16x512xf32, #tpu.memory_space<hbm>>
    tpu.wait_dma2 semaphore(%arg8 : memref<!tpu.dma_semaphore, #tpu.memory_space<semaphore_mem>>) src(%arg4 : memref<16x512xf32, #tpu.memory_space<vmem_shared>>) dst(%dma_wait3A_345 : memref<16x512xf32, #tpu.memory_space<hbm>>)
    %dma_wait3A_346 = arith.constant 10 : i32
    %dma_wait3A_347 = arith.constant 0 : i32
    %dma_wait3A_348 = arith.constant 0 : i32
    %dma_wait3A_349 = arith.constant 0 : i32
    %dma_wait3A_350 = tpu.memref_slice %arg3[%dma_wait3A_348, %dma_wait3A_346, %dma_wait3A_347, %dma_wait3A_349] : memref<16x16x2x512xf32, #tpu.memory_space<hbm>> -> memref<16x1x1x512xf32, #tpu.memory_space<hbm>>
    %dma_wait3A_351 = tpu.memref_squeeze %dma_wait3A_350 : memref<16x1x1x512xf32, #tpu.memory_space<hbm>> -> memref<16x512xf32, #tpu.memory_space<hbm>>
    tpu.wait_dma2 semaphore(%arg8 : memref<!tpu.dma_semaphore, #tpu.memory_space<semaphore_mem>>) src(%arg4 : memref<16x512xf32, #tpu.memory_space<vmem_shared>>) dst(%dma_wait3A_351 : memref<16x512xf32, #tpu.memory_space<hbm>>)
    %dma_wait3A_352 = arith.constant 11 : i32
    %dma_wait3A_353 = arith.constant 0 : i32
    %dma_wait3A_354 = arith.constant 0 : i32
    %dma_wait3A_355 = arith.constant 0 : i32
    %dma_wait3A_356 = tpu.memref_slice %arg3[%dma_wait3A_354, %dma_wait3A_352, %dma_wait3A_353, %dma_wait3A_355] : memref<16x16x2x512xf32, #tpu.memory_space<hbm>> -> memref<16x1x1x512xf32, #tpu.memory_space<hbm>>
    %dma_wait3A_357 = tpu.memref_squeeze %dma_wait3A_356 : memref<16x1x1x512xf32, #tpu.memory_space<hbm>> -> memref<16x512xf32, #tpu.memory_space<hbm>>
    tpu.wait_dma2 semaphore(%arg8 : memref<!tpu.dma_semaphore, #tpu.memory_space<semaphore_mem>>) src(%arg4 : memref<16x512xf32, #tpu.memory_space<vmem_shared>>) dst(%dma_wait3A_357 : memref<16x512xf32, #tpu.memory_space<hbm>>)
    %dma_wait3A_358 = arith.constant 12 : i32
    %dma_wait3A_359 = arith.constant 0 : i32
    %dma_wait3A_360 = arith.constant 0 : i32
    %dma_wait3A_361 = arith.constant 0 : i32
    %dma_wait3A_362 = tpu.memref_slice %arg3[%dma_wait3A_360, %dma_wait3A_358, %dma_wait3A_359, %dma_wait3A_361] : memref<16x16x2x512xf32, #tpu.memory_space<hbm>> -> memref<16x1x1x512xf32, #tpu.memory_space<hbm>>
    %dma_wait3A_363 = tpu.memref_squeeze %dma_wait3A_362 : memref<16x1x1x512xf32, #tpu.memory_space<hbm>> -> memref<16x512xf32, #tpu.memory_space<hbm>>
    tpu.wait_dma2 semaphore(%arg8 : memref<!tpu.dma_semaphore, #tpu.memory_space<semaphore_mem>>) src(%arg4 : memref<16x512xf32, #tpu.memory_space<vmem_shared>>) dst(%dma_wait3A_363 : memref<16x512xf32, #tpu.memory_space<hbm>>)
    %dma_wait3A_364 = arith.constant 13 : i32
    %dma_wait3A_365 = arith.constant 0 : i32
    %dma_wait3A_366 = arith.constant 0 : i32
    %dma_wait3A_367 = arith.constant 0 : i32
    %dma_wait3A_368 = tpu.memref_slice %arg3[%dma_wait3A_366, %dma_wait3A_364, %dma_wait3A_365, %dma_wait3A_367] : memref<16x16x2x512xf32, #tpu.memory_space<hbm>> -> memref<16x1x1x512xf32, #tpu.memory_space<hbm>>
    %dma_wait3A_369 = tpu.memref_squeeze %dma_wait3A_368 : memref<16x1x1x512xf32, #tpu.memory_space<hbm>> -> memref<16x512xf32, #tpu.memory_space<hbm>>
    tpu.wait_dma2 semaphore(%arg8 : memref<!tpu.dma_semaphore, #tpu.memory_space<semaphore_mem>>) src(%arg4 : memref<16x512xf32, #tpu.memory_space<vmem_shared>>) dst(%dma_wait3A_369 : memref<16x512xf32, #tpu.memory_space<hbm>>)
    %dma_wait3A_370 = arith.constant 14 : i32
    %dma_wait3A_371 = arith.constant 0 : i32
    %dma_wait3A_372 = arith.constant 0 : i32
    %dma_wait3A_373 = arith.constant 0 : i32
    %dma_wait3A_374 = tpu.memref_slice %arg3[%dma_wait3A_372, %dma_wait3A_370, %dma_wait3A_371, %dma_wait3A_373] : memref<16x16x2x512xf32, #tpu.memory_space<hbm>> -> memref<16x1x1x512xf32, #tpu.memory_space<hbm>>
    %dma_wait3A_375 = tpu.memref_squeeze %dma_wait3A_374 : memref<16x1x1x512xf32, #tpu.memory_space<hbm>> -> memref<16x512xf32, #tpu.memory_space<hbm>>
    tpu.wait_dma2 semaphore(%arg8 : memref<!tpu.dma_semaphore, #tpu.memory_space<semaphore_mem>>) src(%arg4 : memref<16x512xf32, #tpu.memory_space<vmem_shared>>) dst(%dma_wait3A_375 : memref<16x512xf32, #tpu.memory_space<hbm>>)
    %dma_wait3A_376 = arith.constant 15 : i32
    %dma_wait3A_377 = arith.constant 0 : i32
    %dma_wait3A_378 = arith.constant 0 : i32
    %dma_wait3A_379 = arith.constant 0 : i32
    %dma_wait3A_380 = tpu.memref_slice %arg3[%dma_wait3A_378, %dma_wait3A_376, %dma_wait3A_377, %dma_wait3A_379] : memref<16x16x2x512xf32, #tpu.memory_space<hbm>> -> memref<16x1x1x512xf32, #tpu.memory_space<hbm>>
    %dma_wait3A_381 = tpu.memref_squeeze %dma_wait3A_380 : memref<16x1x1x512xf32, #tpu.memory_space<hbm>> -> memref<16x512xf32, #tpu.memory_space<hbm>>
    tpu.wait_dma2 semaphore(%arg8 : memref<!tpu.dma_semaphore, #tpu.memory_space<semaphore_mem>>) src(%arg4 : memref<16x512xf32, #tpu.memory_space<vmem_shared>>) dst(%dma_wait3A_381 : memref<16x512xf32, #tpu.memory_space<hbm>>)
    return
  }
}

</mosaic_0001>

<sc_bundles>
// kernel: kernel.3.cloned.1.call-start
scs
__scs_entry_jumppad:
0x0: {  	(pc) =	sbr.rel $0x88, $3  }
0x1: {  	(tag) =	ssettag $0x0;
	lr =	simm.s32 $0x1  }
0x2: {  	[smem:$0x3F9F] =	sst lr;
	_ =	strace $0xD0000000  }
0x3: {  	_ = 	snop  }
0x4: {  	_ = 	snop  }
0x5: {  	_ = 	snop  }
0x6: {  	_ = 	snop  }
0x7: {  	_ = 	snop  }
__scs_overlays_trampoline_lowered:
0x8: {  	[smem:$0x3FAE] =	sst s0  }
0x9: {  	[smem:$0x3FAF] =	sst s1  }
0xa: {  	[smem:$0x3FB0] =	sst s2  }
0xb: {  	[smem:$0x3FB1] =	sst s3  }
0xc: {  	[smem:$0x3FB2] =	sst s4  }
0xd: {  	[smem:$0x3FB3] =	sst s5  }
0xe: {  	[smem:$0x3FB4] =	sst s6  }
0xf: {  	[smem:$0x3FB5] =	sst s7  }
0x10: {  	[smem:$0x3FB6] =	sst s8  }
0x11: {  	[smem:$0x3FB7] =	sst s9;
	s0 =	simm.s32 @!p0 $0x0  }
0x12: {  	s1 =	sld [smem:$0x3F9D];
	s0 =	simm.s32 @p0 $0x1  }
0x13: {  	[smem:$0x3FB8] =	sst s0;
	s0 =	simm.s32 @!p1 $0x0  }
0x14: {  	s2 =	sld [smem:$0x3F9C];
	s0 =	simm.s32 @p1 $0x1  }
0x15: {  	[smem:$0x3FB9] =	sst s0;
	s0 =	simm.s32 @!p2 $0x0  }
0x16: {  	s3 =	sld [smem:$0x3FDB];
	s0 =	simm.s32 @p2 $0x1  }
0x17: {  	s4 =	simm.s32 $0x1BF5;
	[smem:$0x3FBB] =	sst s0  }
0x18: {  	s0 =	sld [smem:$0x3F9E];
	_ =	swait.ge [sflag:s4], $0x0  }
0x19: {  	s7 =	sld [smem:$0x3F9F]  }
0x1a: {  	s8 =	sadd.s32 $0xFFFFE003, lr  }
0x1b: {  	s9 =	sadd.s32 $0xFFFFFEF7, lr;
	s5 =	simm.s32 $0xFFFFFFFF;
	p2 =	slt.u32 s8, $0xFFFFF086  }
0x1c: {  	p1 =	slt.u32 s9, $0xF7A;
	s5 =	simm.s32 @!p2 $0x0  }
0x1d: {  	s5 =	simm.s32 @p1 $0x1;
	p0 =	seq.s32 s7, s2  }
0x1e: {  	s7 =	smul.u32 @!p0 $0xF7A, s2;
	p2 =	seq.s32 @!p0 s5, $0x0  }
0x1f: {  	s9 =	smul.u32 $0xF7A, s1;
	s8 =	simm.s32 @!p0 $0x1BF5;
	p2 =	por !p2, p0  }
0x20: {  	[sflag:s8] =	ssyncset.s32 @!p0 $0xFFFFF086;
	s6 =	sadd.s32 @!p0 s3, s7;
	s7 =	simm.s32 @!p0 $0x108  }
0x21: {  	s3 =	sadd.s32 s3, s9;
	s6 =	sadd.s32 @!p0 $0x88, s6;
	s7 =	simm.s32 @p2 $0x1082  }
0x22: {  	[simem:s7], [sflag:s8] =	dma.local @!p0 [hbm:s6], $0xF7A  }
0x23: {  	s9 =	sor.u32 $0xD0000000, s2;
	s6 =	simm.s32 $0x108;
	_ =	swait.ge @!p0 [sflag:s8], $0x0  }
0x24: {  	s3 =	sadd.s32 $0x88, s3;
	s6 =	simm.s32 @!p1 $0x1082;
	[sflag:s4] =	ssyncset.s32 $0xFFFFF086  }
0x25: {  	[simem:s6], [sflag:s4] =	dma.local [hbm:s3], $0xF7A  }
0x26: {  	[smem:$0x3F9F] =	sst s1;
	(tag) =	ssettag s2;
	_ =	strace s9  }
0x27: {  	s1 =	sld [smem:$0x3FAF]  }
0x28: {  	s2 =	sld [smem:$0x3FB0]  }
0x29: {  	s4 =	sld [smem:$0x3FB2]  }
0x2a: {  	p0 =	seq.s32 s5, $0x0;
	s5 =	sld [smem:$0x3FB3]  }
0x2b: {  	s6 =	sld [smem:$0x3FB4]  }
0x2c: {  	s7 =	sld [smem:$0x3FB5]  }
0x2d: {  	s3 =	simm.s32 $0x108;
	s8 =	sld [smem:$0x3FB6]  }
0x2e: {  	s3 =	simm.s32 @!p0 $0x1082;
	s9 =	sld [smem:$0x3FB7]  }
0x2f: {  	lr =	sadd.s32 s0, s3;
	s0 =	sld [smem:$0x3FAE]  }
0x30: {  	s3 =	sld [smem:$0x3FB1]  }
0x31: {  	[smem:$0x3FBA] =	sst s10  }
0x32: {  	s10 =	sld [smem:$0x3FB8];
	_ =	sdelay $0x3  }
0x33: {  	p0 =	seq.s32 s10, $0x1;
	s10 =	sld [smem:$0x3FBA];
	_ =	sdelay $0x3  }
0x34: {  	[smem:$0x3FBA] =	sst s10  }
0x35: {  	s10 =	sld [smem:$0x3FB9];
	_ =	sdelay $0x3  }
0x36: {  	p1 =	seq.s32 s10, $0x1;
	s10 =	sld [smem:$0x3FBA];
	_ =	sdelay $0x3  }
0x37: {  	[smem:$0x3FBA] =	sst s10  }
0x38: {  	s10 =	sld [smem:$0x3FBB]  }
0x39: {  	_ = 	snop;
	(pc) =	sbr.ind lr, $3  }
0x3a: {  	_ = 	snop  }
0x3b: {  	_ = 	snop  }
0x3c: {  	p2 =	seq.s32 s10, $0x1;
	s10 =	sld [smem:$0x3FBA]  }
0x3d: {  	_ =	shalt  }
0x3e: {  	_ =	shalt  }
0x3f: {  	_ =	shalt  }
0x40: {  	_ =	shalt  }
0x41: {  	_ =	shalt  }
0x42: {  	_ =	shalt  }
0x43: {  	_ =	shalt  }
0x44: {  	_ =	shalt  }
0x45: {  	_ =	shalt  }
0x46: {  	_ =	shalt  }
0x47: {  	_ =	shalt  }
0x48: {  	_ =	shalt  }
0x49: {  	_ =	shalt  }
0x4a: {  	_ =	shalt  }
0x4b: {  	_ =	shalt  }
0x4c: {  	_ =	shalt  }
0x4d: {  	_ =	shalt  }
0x4e: {  	_ =	shalt  }
0x4f: {  	_ =	shalt  }
0x50: {  	_ =	shalt  }
0x51: {  	_ =	shalt  }
0x52: {  	_ =	shalt  }
0x53: {  	_ =	shalt  }
0x54: {  	_ =	shalt  }
0x55: {  	_ =	shalt  }
0x56: {  	_ =	shalt  }
0x57: {  	_ =	shalt  }
0x58: {  	_ =	shalt  }
0x59: {  	_ =	shalt  }
0x5a: {  	_ =	shalt  }
0x5b: {  	_ =	shalt  }
0x5c: {  	_ =	shalt  }
0x5d: {  	_ =	shalt  }
0x5e: {  	_ =	shalt  }
0x5f: {  	_ =	shalt  }
0x60: {  	_ =	shalt  }
0x61: {  	_ =	shalt  }
0x62: {  	_ =	shalt  }
0x63: {  	_ =	shalt  }
0x64: {  	_ =	shalt  }
0x65: {  	_ =	shalt  }
0x66: {  	_ =	shalt  }
0x67: {  	_ =	shalt  }
0x68: {  	_ =	shalt  }
0x69: {  	_ =	shalt  }
0x6a: {  	_ =	shalt  }
0x6b: {  	_ =	shalt  }
0x6c: {  	_ =	shalt  }
0x6d: {  	_ =	shalt  }
0x6e: {  	_ =	shalt  }
0x6f: {  	_ =	shalt  }
0x70: {  	_ =	shalt  }
0x71: {  	_ =	shalt  }
0x72: {  	_ =	shalt  }
0x73: {  	_ =	shalt  }
0x74: {  	_ =	shalt  }
0x75: {  	_ =	shalt  }
0x76: {  	_ =	shalt  }
0x77: {  	_ =	shalt  }
0x78: {  	_ =	shalt  }
0x79: {  	_ =	shalt  }
0x7a: {  	_ =	shalt  }
0x7b: {  	_ =	shalt  }
0x7c: {  	_ =	shalt  }
0x7d: {  	_ =	shalt  }
0x7e: {  	_ =	shalt  }
0x7f: {  	_ =	shalt  }
0x80: {  	_ =	shalt  }
0x81: {  	_ =	shalt  }
0x82: {  	_ =	shalt  }
0x83: {  	_ =	shalt  }
0x84: {  	_ =	shalt  }
0x85: {  	_ =	shalt  }
0x86: {  	_ =	shalt  }
0x87: {  	_ =	shalt  }
.Lfunc_end0:
.L_simem_size_0:
called_computation_lowered:
.L_overlay_start_0:
0x88: {  	s0 =	sld [smem:$0x3FD9]  }
0x89: {  	s1 =	sld [smem:$0x3FFE];
	_ =	sdelay $0x3  }
0x8a: {  	s0 =	sadd.s32 s1, s0  }
0x8b: {  	s1 =	simm.s32 $0x0;
	[smem:$0x3FC6] =	sst s0  }
0x8c: {  	[smem:$0xF] =	sst s1  }
0x8d: {  	s0 =	sld [smem:$0x3FC9]  }
0x8e: {  	s5 =	sld [smem:$0x3FC8];
	(tm) =	ssettm $0x1  }
0x8f: {  	s2 =	sld [smem:$0x3FFB];
	_ =	sdelay $0x3  }
0x90: {  	_ =	strace s2  }
0x91: {  	s2 =	sld [smem:$0x3FFC];
	_ =	sdelay $0x3  }
0x92: {  	_ =	strace s2  }
0x93: {  	s2 =	sld [smem:$0x3FFD];
	_ =	sdelay $0x3  }
0x94: {  	_ =	strace s2  }
0x95: {  	s17 =	simm.s32 $0x1B8B;
	_ =	strace $0x8FFFFFFF  }
0x96: {  	_ =	swait.ge [sflag:s17], $0x1  }
0x97: {  	[sflag:s17] =	ssyncset.done $0x0  }
0x98: {  	s3 =	simm.s32 $0x1B8E;
	[sflag:s17] =	ssyncadd.s32 $0xFFFFFFFF  }
0x99: {  	s18 =	simm.s32 $0x9;
	s19 =	simm.s32 $0xA;
	[smem:$0x3FD2] =	sst s3  }
0x9a: {  	s4 =	simm.s32 $0x400;
	s2 =	sld [smem:$0x3FFE];
	_ =	strace $0x80000046  }
0x9b: {  	[spmem:s1], [sflag:s18] =	dma.local [hbm:s0], $0x400  }
0x9c: {  	[spmem:s4], [sflag:s19] =	dma.local [hbm:s5], $0x400  }
0x9d: {  	_ =	swait.ge [sflag:s19], $0x400  }
0x9e: {  	[sflag:s19] =	ssyncset.done $0x0  }
0x9f: {  	[sflag:s19] =	ssyncadd.s32 $0xFFFFFC00  }
0xa0: {  	s0 =	sld [smem:$0x0]  }
0xa1: {  	[dreg:$0x0] =	wrdreg $0x200  }
0xa2: {  	[dreg:$0x1] =	wrdreg $0x400  }
0xa3: {  	[dreg:$0x2] =	wrdreg $0x4  }
0xa4: {  	[dreg:$0x3] =	wrdreg $0x80  }
0xa5: {  	[dreg:$0x4] =	wrdreg $0x20  }
0xa6: {  	[dreg:$0x5] =	wrdreg $0x8  }
0xa7: {  	[dreg:$0x6] =	wrdreg $0x10  }
0xa8: {  	s6 =	sadd.s32 $0x410, s2;
	[dreg:$0x7] =	wrdreg $0x80  }
0xa9: {  	s20 =	sor.u32 $0x4004000, s0;
	s0 =	simm.s32 $0xB;
	[dreg:$0x8] =	wrdreg $0x1  }
0xaa: {  	[hbm:s6], [sflag:s0] =	dma.general [spmem:s4], [sflag:s1], length:$0x400, [dreg:$0x0], stride_count:$0x3, ici_dest:s20, dma_misc:DstOpCode:WRITE  }
0xab: {  	[dreg:$0x0] =	wrdreg $0x200  }
0xac: {  	[dreg:$0x1] =	wrdreg $0x400  }
0xad: {  	[dreg:$0x2] =	wrdreg $0x4  }
0xae: {  	[dreg:$0x3] =	wrdreg $0x80  }
0xaf: {  	[dreg:$0x4] =	wrdreg $0x20  }
0xb0: {  	[dreg:$0x5] =	wrdreg $0x8  }
0xb1: {  	[dreg:$0x6] =	wrdreg $0x10  }
0xb2: {  	[dreg:$0x7] =	wrdreg $0x80  }
0xb3: {  	s21 =	sadd.s32 $0xC10, s2;
	[dreg:$0x8] =	wrdreg $0x1  }
0xb4: {  	[hbm:s21], [sflag:s0] =	dma.general [spmem:s4], [sflag:s1], length:$0x400, [dreg:$0x0], stride_count:$0x3, ici_dest:s20, dma_misc:DstOpCode:WRITE  }
0xb5: {  	[dreg:$0x0] =	wrdreg $0x200  }
0xb6: {  	[dreg:$0x1] =	wrdreg $0x400  }
0xb7: {  	[dreg:$0x2] =	wrdreg $0x4  }
0xb8: {  	[dreg:$0x3] =	wrdreg $0x80  }
0xb9: {  	[dreg:$0x4] =	wrdreg $0x20  }
0xba: {  	[dreg:$0x5] =	wrdreg $0x8  }
0xbb: {  	[dreg:$0x6] =	wrdreg $0x10  }
0xbc: {  	[dreg:$0x7] =	wrdreg $0x80  }
0xbd: {  	s22 =	sadd.s32 $0x1410, s2;
	[dreg:$0x8] =	wrdreg $0x1  }
0xbe: {  	[hbm:s22], [sflag:s0] =	dma.general [spmem:s4], [sflag:s1], length:$0x400, [dreg:$0x0], stride_count:$0x3, ici_dest:s20, dma_misc:DstOpCode:WRITE  }
0xbf: {  	[dreg:$0x0] =	wrdreg $0x200  }
0xc0: {  	[dreg:$0x1] =	wrdreg $0x400  }
0xc1: {  	[dreg:$0x2] =	wrdreg $0x4  }
0xc2: {  	[dreg:$0x3] =	wrdreg $0x80  }
0xc3: {  	[dreg:$0x4] =	wrdreg $0x20  }
0xc4: {  	[dreg:$0x5] =	wrdreg $0x8  }
0xc5: {  	[dreg:$0x6] =	wrdreg $0x10  }
0xc6: {  	[dreg:$0x7] =	wrdreg $0x80  }
0xc7: {  	s23 =	sadd.s32 $0x1C10, s2;
	[dreg:$0x8] =	wrdreg $0x1  }
0xc8: {  	[hbm:s23], [sflag:s0] =	dma.general [spmem:s4], [sflag:s1], length:$0x400, [dreg:$0x0], stride_count:$0x3, ici_dest:s20, dma_misc:DstOpCode:WRITE  }
0xc9: {  	[dreg:$0x0] =	wrdreg $0x200  }
0xca: {  	[dreg:$0x1] =	wrdreg $0x400  }
0xcb: {  	[dreg:$0x2] =	wrdreg $0x4  }
0xcc: {  	[dreg:$0x3] =	wrdreg $0x80  }
0xcd: {  	[dreg:$0x4] =	wrdreg $0x20  }
0xce: {  	[dreg:$0x5] =	wrdreg $0x8  }
0xcf: {  	[dreg:$0x6] =	wrdreg $0x10  }
0xd0: {  	[dreg:$0x7] =	wrdreg $0x80  }
0xd1: {  	s24 =	sadd.s32 $0x2410, s2;
	[dreg:$0x8] =	wrdreg $0x1  }
0xd2: {  	[hbm:s24], [sflag:s0] =	dma.general [spmem:s4], [sflag:s1], length:$0x400, [dreg:$0x0], stride_count:$0x3, ici_dest:s20, dma_misc:DstOpCode:WRITE  }
0xd3: {  	[dreg:$0x0] =	wrdreg $0x200  }
0xd4: {  	[dreg:$0x1] =	wrdreg $0x400  }
0xd5: {  	[dreg:$0x2] =	wrdreg $0x4  }
0xd6: {  	[dreg:$0x3] =	wrdreg $0x80  }
0xd7: {  	[dreg:$0x4] =	wrdreg $0x20  }
0xd8: {  	[dreg:$0x5] =	wrdreg $0x8  }
0xd9: {  	[dreg:$0x6] =	wrdreg $0x10  }
0xda: {  	[dreg:$0x7] =	wrdreg $0x80  }
0xdb: {  	s25 =	sadd.s32 $0x2C10, s2;
	[dreg:$0x8] =	wrdreg $0x1  }
0xdc: {  	[hbm:s25], [sflag:s0] =	dma.general [spmem:s4], [sflag:s1], length:$0x400, [dreg:$0x0], stride_count:$0x3, ici_dest:s20, dma_misc:DstOpCode:WRITE  }
0xdd: {  	[dreg:$0x0] =	wrdreg $0x200  }
0xde: {  	[dreg:$0x1] =	wrdreg $0x400  }
0xdf: {  	[dreg:$0x2] =	wrdreg $0x4  }
0xe0: {  	[dreg:$0x3] =	wrdreg $0x80  }
0xe1: {  	[dreg:$0x4] =	wrdreg $0x20  }
0xe2: {  	[dreg:$0x5] =	wrdreg $0x8  }
0xe3: {  	[dreg:$0x6] =	wrdreg $0x10  }
0xe4: {  	[dreg:$0x7] =	wrdreg $0x80  }
0xe5: {  	s26 =	sadd.s32 $0x3410, s2;
	[dreg:$0x8] =	wrdreg $0x1  }
0xe6: {  	[hbm:s26], [sflag:s0] =	dma.general [spmem:s4], [sflag:s1], length:$0x400, [dreg:$0x0], stride_count:$0x3, ici_dest:s20, dma_misc:DstOpCode:WRITE  }
0xe7: {  	[dreg:$0x0] =	wrdreg $0x200  }
0xe8: {  	[dreg:$0x1] =	wrdreg $0x400  }
0xe9: {  	[dreg:$0x2] =	wrdreg $0x4  }
0xea: {  	[dreg:$0x3] =	wrdreg $0x80  }
0xeb: {  	[dreg:$0x4] =	wrdreg $0x20  }
0xec: {  	[dreg:$0x5] =	wrdreg $0x8  }
0xed: {  	[dreg:$0x6] =	wrdreg $0x10  }
0xee: {  	[dreg:$0x7] =	wrdreg $0x80  }
0xef: {  	s28 =	sadd.s32 $0x3C10, s2;
	[dreg:$0x8] =	wrdreg $0x1  }
0xf0: {  	[hbm:s28], [sflag:s0] =	dma.general [spmem:s4], [sflag:s1], length:$0x400, [dreg:$0x0], stride_count:$0x3, ici_dest:s20, dma_misc:DstOpCode:WRITE  }
0xf1: {  	[dreg:$0x0] =	wrdreg $0x200  }
0xf2: {  	[dreg:$0x1] =	wrdreg $0x400  }
0xf3: {  	[dreg:$0x2] =	wrdreg $0x4  }
0xf4: {  	[dreg:$0x3] =	wrdreg $0x80  }
0xf5: {  	[dreg:$0x4] =	wrdreg $0x20  }
0xf6: {  	[dreg:$0x5] =	wrdreg $0x8  }
0xf7: {  	[dreg:$0x6] =	wrdreg $0x10  }
0xf8: {  	[dreg:$0x7] =	wrdreg $0x80  }
0xf9: {  	s29 =	sadd.s32 $0x4410, s2;
	[dreg:$0x8] =	wrdreg $0x1  }
0xfa: {  	[hbm:s29], [sflag:s0] =	dma.general [spmem:s4], [sflag:s1], length:$0x400, [dreg:$0x0], stride_count:$0x3, ici_dest:s20, dma_misc:DstOpCode:WRITE  }
0xfb: {  	[dreg:$0x0] =	wrdreg $0x200  }
0xfc: {  	[dreg:$0x1] =	wrdreg $0x400  }
0xfd: {  	[dreg:$0x2] =	wrdreg $0x4  }
0xfe: {  	[dreg:$0x3] =	wrdreg $0x80  }
0xff: {  	[dreg:$0x4] =	wrdreg $0x20  }
0x100: {  	[dreg:$0x5] =	wrdreg $0x8  }
0x101: {  	[dreg:$0x6] =	wrdreg $0x10  }
0x102: {  	[dreg:$0x7] =	wrdreg $0x80  }
0x103: {  	s30 =	sadd.s32 $0x4C10, s2;
	[dreg:$0x8] =	wrdreg $0x1  }
0x104: {  	[hbm:s30], [sflag:s0] =	dma.general [spmem:s4], [sflag:s1], length:$0x400, [dreg:$0x0], stride_count:$0x3, ici_dest:s20, dma_misc:DstOpCode:WRITE  }
0x105: {  	[dreg:$0x0] =	wrdreg $0x200  }
0x106: {  	s5 =	sld [smem:$0x0]  }
0x107: {  	[dreg:$0x1] =	wrdreg $0x400  }
0x108: {  	[dreg:$0x2] =	wrdreg $0x4  }
0x109: {  	[dreg:$0x3] =	wrdreg $0x80  }
0x10a: {  	[dreg:$0x4] =	wrdreg $0x20  }
0x10b: {  	[dreg:$0x5] =	wrdreg $0x8  }
0x10c: {  	[dreg:$0x6] =	wrdreg $0x10  }
0x10d: {  	[dreg:$0x7] =	wrdreg $0x80  }
0x10e: {  	s31 =	sadd.s32 $0x5410, s2;
	s5 =	sor.u32 $0x4004000, s5;
	[dreg:$0x8] =	wrdreg $0x1  }
0x10f: {  	[hbm:s31], [sflag:s0] =	dma.general [spmem:s4], [sflag:s1], length:$0x400, [dreg:$0x0], stride_count:$0x3, ici_dest:s5, dma_misc:DstOpCode:WRITE  }
0x110: {  	[dreg:$0x0] =	wrdreg $0x200  }
0x111: {  	[dreg:$0x1] =	wrdreg $0x400  }
0x112: {  	[dreg:$0x2] =	wrdreg $0x4  }
0x113: {  	[dreg:$0x3] =	wrdreg $0x80  }
0x114: {  	[dreg:$0x4] =	wrdreg $0x20  }
0x115: {  	[dreg:$0x5] =	wrdreg $0x8  }
0x116: {  	[dreg:$0x6] =	wrdreg $0x10  }
0x117: {  	[dreg:$0x7] =	wrdreg $0x80  }
0x118: {  	s7 =	sadd.s32 $0x5C10, s2;
	[dreg:$0x8] =	wrdreg $0x1  }
0x119: {  	[hbm:s7], [sflag:s0] =	dma.general [spmem:s4], [sflag:s1], length:$0x400, [dreg:$0x0], stride_count:$0x3, ici_dest:s5, dma_misc:DstOpCode:WRITE  }
0x11a: {  	[dreg:$0x0] =	wrdreg $0x200  }
0x11b: {  	[dreg:$0x1] =	wrdreg $0x400  }
0x11c: {  	[dreg:$0x2] =	wrdreg $0x4  }
0x11d: {  	[dreg:$0x3] =	wrdreg $0x80  }
0x11e: {  	[dreg:$0x4] =	wrdreg $0x20  }
0x11f: {  	[dreg:$0x5] =	wrdreg $0x8  }
0x120: {  	[dreg:$0x6] =	wrdreg $0x10  }
0x121: {  	[dreg:$0x7] =	wrdreg $0x80  }
0x122: {  	s8 =	sadd.s32 $0x6410, s2;
	[dreg:$0x8] =	wrdreg $0x1  }
0x123: {  	[hbm:s8], [sflag:s0] =	dma.general [spmem:s4], [sflag:s1], length:$0x400, [dreg:$0x0], stride_count:$0x3, ici_dest:s5, dma_misc:DstOpCode:WRITE  }
0x124: {  	[dreg:$0x0] =	wrdreg $0x200  }
0x125: {  	[dreg:$0x1] =	wrdreg $0x400  }
0x126: {  	[dreg:$0x2] =	wrdreg $0x4  }
0x127: {  	[dreg:$0x3] =	wrdreg $0x80  }
0x128: {  	[dreg:$0x4] =	wrdreg $0x20  }
0x129: {  	[dreg:$0x5] =	wrdreg $0x8  }
0x12a: {  	[dreg:$0x6] =	wrdreg $0x10  }
0x12b: {  	[dreg:$0x7] =	wrdreg $0x80  }
0x12c: {  	s9 =	sadd.s32 $0x6C10, s2;
	[dreg:$0x8] =	wrdreg $0x1  }
0x12d: {  	[hbm:s9], [sflag:s0] =	dma.general [spmem:s4], [sflag:s1], length:$0x400, [dreg:$0x0], stride_count:$0x3, ici_dest:s5, dma_misc:DstOpCode:WRITE  }
0x12e: {  	[dreg:$0x0] =	wrdreg $0x200  }
0x12f: {  	[dreg:$0x1] =	wrdreg $0x400  }
0x130: {  	[dreg:$0x2] =	wrdreg $0x4  }
0x131: {  	[dreg:$0x3] =	wrdreg $0x80  }
0x132: {  	[dreg:$0x4] =	wrdreg $0x20  }
0x133: {  	[dreg:$0x5] =	wrdreg $0x8  }
0x134: {  	[dreg:$0x6] =	wrdreg $0x10  }
0x135: {  	[dreg:$0x7] =	wrdreg $0x80  }
0x136: {  	s10 =	sadd.s32 $0x7410, s2;
	[dreg:$0x8] =	wrdreg $0x1  }
0x137: {  	[hbm:s10], [sflag:s0] =	dma.general [spmem:s4], [sflag:s1], length:$0x400, [dreg:$0x0], stride_count:$0x3, ici_dest:s5, dma_misc:DstOpCode:WRITE  }
0x138: {  	[dreg:$0x0] =	wrdreg $0x200  }
0x139: {  	[dreg:$0x1] =	wrdreg $0x400  }
0x13a: {  	[dreg:$0x2] =	wrdreg $0x4  }
0x13b: {  	[dreg:$0x3] =	wrdreg $0x80  }
0x13c: {  	[dreg:$0x4] =	wrdreg $0x20  }
0x13d: {  	[dreg:$0x5] =	wrdreg $0x8  }
0x13e: {  	[dreg:$0x6] =	wrdreg $0x10  }
0x13f: {  	[dreg:$0x7] =	wrdreg $0x80  }
0x140: {  	s11 =	sadd.s32 $0x7C10, s2;
	[dreg:$0x8] =	wrdreg $0x1  }
0x141: {  	[hbm:s11], [sflag:s0] =	dma.general [spmem:s4], [sflag:s1], length:$0x400, [dreg:$0x0], stride_count:$0x3, ici_dest:s5, dma_misc:DstOpCode:WRITE  }
0x142: {  	_ =	swait.ge [sflag:s18], $0x400  }
0x143: {  	[sflag:s18] =	ssyncset.done $0x0  }
0x144: {  	[sflag:s18] =	ssyncadd.s32 $0xFFFFFC00  }
0x145: {  	[dreg:$0x0] =	wrdreg $0x200  }
0x146: {  	[dreg:$0x1] =	wrdreg $0x4000  }
0x147: {  	[dreg:$0x2] =	wrdreg $0x4  }
0x148: {  	[dreg:$0x3] =	wrdreg $0x80  }
0x149: {  	[dreg:$0x4] =	wrdreg $0x20  }
0x14a: {  	[dreg:$0x5] =	wrdreg $0x8  }
0x14b: {  	[dreg:$0x6] =	wrdreg $0x10  }
0x14c: {  	[dreg:$0x7] =	wrdreg $0x800  }
0x14d: {  	s12 =	sadd.s32 $0x400, s2;
	[dreg:$0x8] =	wrdreg $0x1  }
0x14e: {  	[hbm:s12], [sflag:s0] =	dma.general [spmem:s1], [sflag:s1], length:$0x400, [dreg:$0x0], stride_count:$0x3, ici_dest:s5, dma_misc:DstOpCode:WRITE  }
0x14f: {  	[dreg:$0x0] =	wrdreg $0x200  }
0x150: {  	[dreg:$0x1] =	wrdreg $0x4000  }
0x151: {  	[dreg:$0x2] =	wrdreg $0x4  }
0x152: {  	[dreg:$0x3] =	wrdreg $0x80  }
0x153: {  	[dreg:$0x4] =	wrdreg $0x20  }
0x154: {  	[dreg:$0x5] =	wrdreg $0x8  }
0x155: {  	[dreg:$0x6] =	wrdreg $0x10  }
0x156: {  	[dreg:$0x7] =	wrdreg $0x800  }
0x157: {  	s13 =	sadd.s32 $0x480, s2;
	[dreg:$0x8] =	wrdreg $0x1  }
0x158: {  	[hbm:s13], [sflag:s0] =	dma.general [spmem:s1], [sflag:s1], length:$0x400, [dreg:$0x0], stride_count:$0x3, ici_dest:s5, dma_misc:DstOpCode:WRITE  }
0x159: {  	[dreg:$0x0] =	wrdreg $0x200  }
0x15a: {  	[dreg:$0x1] =	wrdreg $0x4000  }
0x15b: {  	[dreg:$0x2] =	wrdreg $0x4  }
0x15c: {  	[dreg:$0x3] =	wrdreg $0x80  }
0x15d: {  	[dreg:$0x4] =	wrdreg $0x20  }
0x15e: {  	[dreg:$0x5] =	wrdreg $0x8  }
0x15f: {  	[dreg:$0x6] =	wrdreg $0x10  }
0x160: {  	[dreg:$0x7] =	wrdreg $0x800  }
0x161: {  	s14 =	sadd.s32 $0x500, s2;
	[dreg:$0x8] =	wrdreg $0x1  }
0x162: {  	[hbm:s14], [sflag:s0] =	dma.general [spmem:s1], [sflag:s1], length:$0x400, [dreg:$0x0], stride_count:$0x3, ici_dest:s5, dma_misc:DstOpCode:WRITE  }
0x163: {  	[dreg:$0x0] =	wrdreg $0x200  }
0x164: {  	[dreg:$0x1] =	wrdreg $0x4000  }
0x165: {  	[dreg:$0x2] =	wrdreg $0x4  }
0x166: {  	[dreg:$0x3] =	wrdreg $0x80  }
0x167: {  	[dreg:$0x4] =	wrdreg $0x20  }
0x168: {  	[dreg:$0x5] =	wrdreg $0x8  }
0x169: {  	[dreg:$0x6] =	wrdreg $0x10  }
0x16a: {  	[dreg:$0x7] =	wrdreg $0x800  }
0x16b: {  	s15 =	sadd.s32 $0x580, s2;
	[dreg:$0x8] =	wrdreg $0x1  }
0x16c: {  	[hbm:s15], [sflag:s0] =	dma.general [spmem:s1], [sflag:s1], length:$0x400, [dreg:$0x0], stride_count:$0x3, ici_dest:s5, dma_misc:DstOpCode:WRITE  }
0x16d: {  	[dreg:$0x0] =	wrdreg $0x200  }
0x16e: {  	s3 =	sld [smem:$0x0]  }
0x16f: {  	[dreg:$0x1] =	wrdreg $0x4000  }
0x170: {  	[dreg:$0x2] =	wrdreg $0x4  }
0x171: {  	[dreg:$0x3] =	wrdreg $0x80  }
0x172: {  	[dreg:$0x4] =	wrdreg $0x20  }
0x173: {  	[dreg:$0x5] =	wrdreg $0x8  }
0x174: {  	[dreg:$0x6] =	wrdreg $0x10  }
0x175: {  	[dreg:$0x7] =	wrdreg $0x800  }
0x176: {  	s16 =	sadd.s32 $0x600, s2;
	s3 =	sor.u32 $0x4004000, s3;
	[dreg:$0x8] =	wrdreg $0x1  }
0x177: {  	[hbm:s16], [sflag:s0] =	dma.general [spmem:s1], [sflag:s1], length:$0x400, [dreg:$0x0], stride_count:$0x3, ici_dest:s3, dma_misc:DstOpCode:WRITE  }
0x178: {  	[dreg:$0x0] =	wrdreg $0x200  }
0x179: {  	[dreg:$0x1] =	wrdreg $0x4000  }
0x17a: {  	[dreg:$0x2] =	wrdreg $0x4  }
0x17b: {  	[dreg:$0x3] =	wrdreg $0x80  }
0x17c: {  	[dreg:$0x4] =	wrdreg $0x20  }
0x17d: {  	[dreg:$0x5] =	wrdreg $0x8  }
0x17e: {  	[dreg:$0x6] =	wrdreg $0x10  }
0x17f: {  	[dreg:$0x7] =	wrdreg $0x800  }
0x180: {  	s17 =	sadd.s32 $0x680, s2;
	[dreg:$0x8] =	wrdreg $0x1  }
0x181: {  	[hbm:s17], [sflag:s0] =	dma.general [spmem:s1], [sflag:s1], length:$0x400, [dreg:$0x0], stride_count:$0x3, ici_dest:s3, dma_misc:DstOpCode:WRITE  }
0x182: {  	[dreg:$0x0] =	wrdreg $0x200  }
0x183: {  	[dreg:$0x1] =	wrdreg $0x4000  }
0x184: {  	[dreg:$0x2] =	wrdreg $0x4  }
0x185: {  	[dreg:$0x3] =	wrdreg $0x80  }
0x186: {  	[dreg:$0x4] =	wrdreg $0x20  }
0x187: {  	[dreg:$0x5] =	wrdreg $0x8  }
0x188: {  	[dreg:$0x6] =	wrdreg $0x10  }
0x189: {  	[dreg:$0x7] =	wrdreg $0x800  }
0x18a: {  	s18 =	sadd.s32 $0x700, s2;
	[dreg:$0x8] =	wrdreg $0x1  }
0x18b: {  	[hbm:s18], [sflag:s0] =	dma.general [spmem:s1], [sflag:s1], length:$0x400, [dreg:$0x0], stride_count:$0x3, ici_dest:s3, dma_misc:DstOpCode:WRITE  }
0x18c: {  	[dreg:$0x0] =	wrdreg $0x200  }
0x18d: {  	[dreg:$0x1] =	wrdreg $0x4000  }
0x18e: {  	[dreg:$0x2] =	wrdreg $0x4  }
0x18f: {  	[dreg:$0x3] =	wrdreg $0x80  }
0x190: {  	[dreg:$0x4] =	wrdreg $0x20  }
0x191: {  	[dreg:$0x5] =	wrdreg $0x8  }
0x192: {  	[dreg:$0x6] =	wrdreg $0x10  }
0x193: {  	[dreg:$0x7] =	wrdreg $0x800  }
0x194: {  	s19 =	sadd.s32 $0x780, s2;
	[dreg:$0x8] =	wrdreg $0x1  }
0x195: {  	[hbm:s19], [sflag:s0] =	dma.general [spmem:s1], [sflag:s1], length:$0x400, [dreg:$0x0], stride_count:$0x3, ici_dest:s3, dma_misc:DstOpCode:WRITE  }
0x196: {  	[dreg:$0x0] =	wrdreg $0x200  }
0x197: {  	[dreg:$0x1] =	wrdreg $0x4000  }
0x198: {  	[dreg:$0x2] =	wrdreg $0x4  }
0x199: {  	[dreg:$0x3] =	wrdreg $0x80  }
0x19a: {  	[dreg:$0x4] =	wrdreg $0x20  }
0x19b: {  	[dreg:$0x5] =	wrdreg $0x8  }
0x19c: {  	[dreg:$0x6] =	wrdreg $0x10  }
0x19d: {  	[dreg:$0x7] =	wrdreg $0x800  }
0x19e: {  	s20 =	sadd.s32 $0x800, s2;
	[dreg:$0x8] =	wrdreg $0x1  }
0x19f: {  	[hbm:s20], [sflag:s0] =	dma.general [spmem:s1], [sflag:s1], length:$0x400, [dreg:$0x0], stride_count:$0x3, ici_dest:s3, dma_misc:DstOpCode:WRITE  }
0x1a0: {  	[dreg:$0x0] =	wrdreg $0x200  }
0x1a1: {  	[dreg:$0x1] =	wrdreg $0x4000  }
0x1a2: {  	[dreg:$0x2] =	wrdreg $0x4  }
0x1a3: {  	[dreg:$0x3] =	wrdreg $0x80  }
0x1a4: {  	[dreg:$0x4] =	wrdreg $0x20  }
0x1a5: {  	[dreg:$0x5] =	wrdreg $0x8  }
0x1a6: {  	[dreg:$0x6] =	wrdreg $0x10  }
0x1a7: {  	[dreg:$0x7] =	wrdreg $0x800  }
0x1a8: {  	s21 =	sadd.s32 $0x880, s2;
	[dreg:$0x8] =	wrdreg $0x1  }
0x1a9: {  	[hbm:s21], [sflag:s0] =	dma.general [spmem:s1], [sflag:s1], length:$0x400, [dreg:$0x0], stride_count:$0x3, ici_dest:s3, dma_misc:DstOpCode:WRITE  }
0x1aa: {  	[dreg:$0x0] =	wrdreg $0x200  }
0x1ab: {  	[dreg:$0x1] =	wrdreg $0x4000  }
0x1ac: {  	[dreg:$0x2] =	wrdreg $0x4  }
0x1ad: {  	[dreg:$0x3] =	wrdreg $0x80  }
0x1ae: {  	[dreg:$0x4] =	wrdreg $0x20  }
0x1af: {  	[dreg:$0x5] =	wrdreg $0x8  }
0x1b0: {  	[dreg:$0x6] =	wrdreg $0x10  }
0x1b1: {  	[dreg:$0x7] =	wrdreg $0x800  }
0x1b2: {  	s22 =	sadd.s32 $0x900, s2;
	[dreg:$0x8] =	wrdreg $0x1  }
0x1b3: {  	[hbm:s22], [sflag:s0] =	dma.general [spmem:s1], [sflag:s1], length:$0x400, [dreg:$0x0], stride_count:$0x3, ici_dest:s3, dma_misc:DstOpCode:WRITE  }
0x1b4: {  	[dreg:$0x0] =	wrdreg $0x200  }
0x1b5: {  	[dreg:$0x1] =	wrdreg $0x4000  }
0x1b6: {  	[dreg:$0x2] =	wrdreg $0x4  }
0x1b7: {  	[dreg:$0x3] =	wrdreg $0x80  }
0x1b8: {  	[dreg:$0x4] =	wrdreg $0x20  }
0x1b9: {  	[dreg:$0x5] =	wrdreg $0x8  }
0x1ba: {  	[dreg:$0x6] =	wrdreg $0x10  }
0x1bb: {  	[dreg:$0x7] =	wrdreg $0x800  }
0x1bc: {  	s23 =	sadd.s32 $0x980, s2;
	[dreg:$0x8] =	wrdreg $0x1  }
0x1bd: {  	[hbm:s23], [sflag:s0] =	dma.general [spmem:s1], [sflag:s1], length:$0x400, [dreg:$0x0], stride_count:$0x3, ici_dest:s3, dma_misc:DstOpCode:WRITE  }
0x1be: {  	[dreg:$0x0] =	wrdreg $0x200  }
0x1bf: {  	[dreg:$0x1] =	wrdreg $0x4000  }
0x1c0: {  	[dreg:$0x2] =	wrdreg $0x4  }
0x1c1: {  	[dreg:$0x3] =	wrdreg $0x80  }
0x1c2: {  	[dreg:$0x4] =	wrdreg $0x20  }
0x1c3: {  	[dreg:$0x5] =	wrdreg $0x8  }
0x1c4: {  	[dreg:$0x6] =	wrdreg $0x10  }
0x1c5: {  	[dreg:$0x7] =	wrdreg $0x800  }
0x1c6: {  	s24 =	sadd.s32 $0xA00, s2;
	[dreg:$0x8] =	wrdreg $0x1  }
0x1c7: {  	[hbm:s24], [sflag:s0] =	dma.general [spmem:s1], [sflag:s1], length:$0x400, [dreg:$0x0], stride_count:$0x3, ici_dest:s3, dma_misc:DstOpCode:WRITE  }
0x1c8: {  	[dreg:$0x0] =	wrdreg $0x200  }
0x1c9: {  	[dreg:$0x1] =	wrdreg $0x4000  }
0x1ca: {  	[dreg:$0x2] =	wrdreg $0x4  }
0x1cb: {  	[dreg:$0x3] =	wrdreg $0x80  }
0x1cc: {  	[dreg:$0x4] =	wrdreg $0x20  }
0x1cd: {  	[dreg:$0x5] =	wrdreg $0x8  }
0x1ce: {  	[dreg:$0x6] =	wrdreg $0x10  }
0x1cf: {  	[dreg:$0x7] =	wrdreg $0x800  }
0x1d0: {  	s25 =	sadd.s32 $0xA80, s2;
	[dreg:$0x8] =	wrdreg $0x1  }
0x1d1: {  	[hbm:s25], [sflag:s0] =	dma.general [spmem:s1], [sflag:s1], length:$0x400, [dreg:$0x0], stride_count:$0x3, ici_dest:s3, dma_misc:DstOpCode:WRITE  }
0x1d2: {  	[dreg:$0x0] =	wrdreg $0x200  }
0x1d3: {  	s3 =	sld [smem:$0x0]  }
0x1d4: {  	[dreg:$0x1] =	wrdreg $0x4000  }
0x1d5: {  	[dreg:$0x2] =	wrdreg $0x4  }
0x1d6: {  	[dreg:$0x3] =	wrdreg $0x80  }
0x1d7: {  	[dreg:$0x4] =	wrdreg $0x20  }
0x1d8: {  	[dreg:$0x5] =	wrdreg $0x8  }
0x1d9: {  	[dreg:$0x6] =	wrdreg $0x10  }
0x1da: {  	[dreg:$0x7] =	wrdreg $0x800  }
0x1db: {  	s26 =	sadd.s32 $0xB00, s2;
	s3 =	sor.u32 $0x4004000, s3;
	[dreg:$0x8] =	wrdreg $0x1  }
0x1dc: {  	[hbm:s26], [sflag:s0] =	dma.general [spmem:s1], [sflag:s1], length:$0x400, [dreg:$0x0], stride_count:$0x3, ici_dest:s3, dma_misc:DstOpCode:WRITE  }
0x1dd: {  	[dreg:$0x0] =	wrdreg $0x200  }
0x1de: {  	[dreg:$0x1] =	wrdreg $0x4000  }
0x1df: {  	[dreg:$0x2] =	wrdreg $0x4  }
0x1e0: {  	[dreg:$0x3] =	wrdreg $0x80  }
0x1e1: {  	[dreg:$0x4] =	wrdreg $0x20  }
0x1e2: {  	[dreg:$0x5] =	wrdreg $0x8  }
0x1e3: {  	[dreg:$0x6] =	wrdreg $0x10  }
0x1e4: {  	[dreg:$0x7] =	wrdreg $0x800  }
0x1e5: {  	s2 =	sadd.s32 $0xB80, s2;
	[dreg:$0x8] =	wrdreg $0x1  }
0x1e6: {  	[hbm:s2], [sflag:s0] =	dma.general [spmem:s1], [sflag:s1], length:$0x400, [dreg:$0x0], stride_count:$0x3, ici_dest:s3, dma_misc:DstOpCode:WRITE  }
0x1e7: {  	_ =	swait.ge [sflag:s0], $0x400  }
0x1e8: {  	[sflag:s0] =	ssyncset.done $0x0  }
0x1e9: {  	[sflag:s0] =	ssyncadd.s32 $0xFFFFFC00;
	_ =	sdelay $0x2  }
0x1ea: {  	_ =	swait.ge [sflag:s0], $0x400  }
0x1eb: {  	[sflag:s0] =	ssyncset.done $0x0  }
0x1ec: {  	[sflag:s0] =	ssyncadd.s32 $0xFFFFFC00;
	_ =	sdelay $0x2  }
0x1ed: {  	_ =	swait.ge [sflag:s0], $0x400  }
0x1ee: {  	[sflag:s0] =	ssyncset.done $0x0  }
0x1ef: {  	[sflag:s0] =	ssyncadd.s32 $0xFFFFFC00;
	_ =	sdelay $0x2  }
0x1f0: {  	_ =	swait.ge [sflag:s0], $0x400  }
0x1f1: {  	[sflag:s0] =	ssyncset.done $0x0  }
0x1f2: {  	[sflag:s0] =	ssyncadd.s32 $0xFFFFFC00;
	_ =	sdelay $0x2  }
0x1f3: {  	_ =	swait.ge [sflag:s0], $0x400  }
0x1f4: {  	[sflag:s0] =	ssyncset.done $0x0  }
0x1f5: {  	[sflag:s0] =	ssyncadd.s32 $0xFFFFFC00;
	_ =	sdelay $0x2  }
0x1f6: {  	_ =	swait.ge [sflag:s0], $0x400  }
0x1f7: {  	[sflag:s0] =	ssyncset.done $0x0  }
0x1f8: {  	[sflag:s0] =	ssyncadd.s32 $0xFFFFFC00;
	_ =	sdelay $0x2  }
0x1f9: {  	_ =	swait.ge [sflag:s0], $0x400  }
0x1fa: {  	[sflag:s0] =	ssyncset.done $0x0  }
0x1fb: {  	[sflag:s0] =	ssyncadd.s32 $0xFFFFFC00;
	_ =	sdelay $0x2  }
0x1fc: {  	_ =	swait.ge [sflag:s0], $0x400  }
0x1fd: {  	[sflag:s0] =	ssyncset.done $0x0  }
0x1fe: {  	[sflag:s0] =	ssyncadd.s32 $0xFFFFFC00;
	_ =	sdelay $0x2  }
0x1ff: {  	_ =	swait.ge [sflag:s0], $0x400  }
0x200: {  	[sflag:s0] =	ssyncset.done $0x0  }
0x201: {  	[sflag:s0] =	ssyncadd.s32 $0xFFFFFC00;
	_ =	sdelay $0x2  }
0x202: {  	_ =	swait.ge [sflag:s0], $0x400  }
0x203: {  	[sflag:s0] =	ssyncset.done $0x0  }
0x204: {  	[sflag:s0] =	ssyncadd.s32 $0xFFFFFC00;
	_ =	sdelay $0x2  }
0x205: {  	_ =	swait.ge [sflag:s0], $0x400  }
0x206: {  	[sflag:s0] =	ssyncset.done $0x0  }
0x207: {  	[sflag:s0] =	ssyncadd.s32 $0xFFFFFC00;
	_ =	sdelay $0x2  }
0x208: {  	_ =	swait.ge [sflag:s0], $0x400  }
0x209: {  	[sflag:s0] =	ssyncset.done $0x0  }
0x20a: {  	[sflag:s0] =	ssyncadd.s32 $0xFFFFFC00;
	_ =	sdelay $0x2  }
0x20b: {  	_ =	swait.ge [sflag:s0], $0x400  }
0x20c: {  	[sflag:s0] =	ssyncset.done $0x0  }
0x20d: {  	[sflag:s0] =	ssyncadd.s32 $0xFFFFFC00;
	_ =	sdelay $0x2  }
0x20e: {  	_ =	swait.ge [sflag:s0], $0x400  }
0x20f: {  	[sflag:s0] =	ssyncset.done $0x0  }
0x210: {  	[sflag:s0] =	ssyncadd.s32 $0xFFFFFC00;
	_ =	sdelay $0x2  }
0x211: {  	_ =	swait.ge [sflag:s0], $0x400  }
0x212: {  	[sflag:s0] =	ssyncset.done $0x0  }
0x213: {  	[sflag:s0] =	ssyncadd.s32 $0xFFFFFC00;
	_ =	sdelay $0x2  }
0x214: {  	_ =	swait.ge [sflag:s0], $0x400  }
0x215: {  	[sflag:s0] =	ssyncset.done $0x0  }
0x216: {  	[sflag:s0] =	ssyncadd.s32 $0xFFFFFC00;
	_ =	sdelay $0x2  }
0x217: {  	_ =	swait.ge [sflag:s0], $0x400  }
0x218: {  	[sflag:s0] =	ssyncset.done $0x0  }
0x219: {  	[sflag:s0] =	ssyncadd.s32 $0xFFFFFC00;
	_ =	sdelay $0x2  }
0x21a: {  	_ =	swait.ge [sflag:s0], $0x400  }
0x21b: {  	[sflag:s0] =	ssyncset.done $0x0  }
0x21c: {  	[sflag:s0] =	ssyncadd.s32 $0xFFFFFC00;
	_ =	sdelay $0x2  }
0x21d: {  	_ =	swait.ge [sflag:s0], $0x400  }
0x21e: {  	[sflag:s0] =	ssyncset.done $0x0  }
0x21f: {  	[sflag:s0] =	ssyncadd.s32 $0xFFFFFC00;
	_ =	sdelay $0x2  }
0x220: {  	_ =	swait.ge [sflag:s0], $0x400  }
0x221: {  	[sflag:s0] =	ssyncset.done $0x0  }
0x222: {  	[sflag:s0] =	ssyncadd.s32 $0xFFFFFC00;
	_ =	sdelay $0x2  }
0x223: {  	_ =	swait.ge [sflag:s0], $0x400  }
0x224: {  	[sflag:s0] =	ssyncset.done $0x0  }
0x225: {  	[sflag:s0] =	ssyncadd.s32 $0xFFFFFC00;
	_ =	sdelay $0x2  }
0x226: {  	_ =	swait.ge [sflag:s0], $0x400  }
0x227: {  	[sflag:s0] =	ssyncset.done $0x0  }
0x228: {  	[sflag:s0] =	ssyncadd.s32 $0xFFFFFC00;
	_ =	sdelay $0x2  }
0x229: {  	_ =	swait.ge [sflag:s0], $0x400  }
0x22a: {  	[sflag:s0] =	ssyncset.done $0x0  }
0x22b: {  	[sflag:s0] =	ssyncadd.s32 $0xFFFFFC00;
	_ =	sdelay $0x2  }
0x22c: {  	_ =	swait.ge [sflag:s0], $0x400  }
0x22d: {  	[sflag:s0] =	ssyncset.done $0x0  }
0x22e: {  	[sflag:s0] =	ssyncadd.s32 $0xFFFFFC00;
	_ =	sdelay $0x2  }
0x22f: {  	_ =	swait.ge [sflag:s0], $0x400  }
0x230: {  	[sflag:s0] =	ssyncset.done $0x0  }
0x231: {  	[sflag:s0] =	ssyncadd.s32 $0xFFFFFC00;
	_ =	sdelay $0x2  }
0x232: {  	_ =	swait.ge [sflag:s0], $0x400  }
0x233: {  	[sflag:s0] =	ssyncset.done $0x0  }
0x234: {  	[sflag:s0] =	ssyncadd.s32 $0xFFFFFC00;
	_ =	sdelay $0x2  }
0x235: {  	_ =	swait.ge [sflag:s0], $0x400  }
0x236: {  	[sflag:s0] =	ssyncset.done $0x0  }
0x237: {  	[sflag:s0] =	ssyncadd.s32 $0xFFFFFC00;
	_ =	sdelay $0x2  }
0x238: {  	_ =	swait.ge [sflag:s0], $0x400  }
0x239: {  	[sflag:s0] =	ssyncset.done $0x0  }
0x23a: {  	[sflag:s0] =	ssyncadd.s32 $0xFFFFFC00;
	_ =	sdelay $0x2  }
0x23b: {  	_ =	swait.ge [sflag:s0], $0x400  }
0x23c: {  	[sflag:s0] =	ssyncset.done $0x0  }
0x23d: {  	[sflag:s0] =	ssyncadd.s32 $0xFFFFFC00;
	_ =	sdelay $0x2  }
0x23e: {  	_ =	swait.ge [sflag:s0], $0x400  }
0x23f: {  	[sflag:s0] =	ssyncset.done $0x0  }
0x240: {  	[sflag:s0] =	ssyncadd.s32 $0xFFFFFC00;
	_ =	sdelay $0x2  }
0x241: {  	_ =	swait.ge [sflag:s0], $0x400  }
0x242: {  	[sflag:s0] =	ssyncset.done $0x0  }
0x243: {  	[sflag:s0] =	ssyncadd.s32 $0xFFFFFC00;
	_ =	sdelay $0x2  }
0x244: {  	_ =	swait.ge [sflag:s0], $0x400  }
0x245: {  	[sflag:s0] =	ssyncset.done $0x0  }
0x246: {  	[sflag:s0] =	ssyncadd.s32 $0xFFFFFC00  }
0x247: {  	_ =	strace $0x90000046  }
0x248: {  	_ =	sfence  }
0x249: {  	s28 =	sld [smem:$0x0];
	_ =	sdelay $0x1  }
0x24a: {  	s29 =	srdreg.scid  }
0x24b: {  	s30 =	sshll.u32 s29, $0xD;
	s31 =	sshrl.u32 s29, $0x2  }
0x24c: {  	s1 =	sand.u32 $0x1, s29;
	s2 =	sand.u32 $0x4000, s30;
	s0 =	sadd.s32 s31, s28  }
0x24d: {  	s1 =	sor.u32 s2, s1;
	s0 =	sshll.u32 s0, $0x11  }
0x24e: {  	s0 =	sor.u32 s0, s1  }
0x24f: {  	s0 =	sadd.s32 $0x8F2B, s0;
	(pc) =	sbr.abs _section_cstart, $3  }
0x250: {  	[sflag:s0] =	ssyncadd.remote.s32 $0x1  }
0x251: {  	_ =	strace $0x9FFFFFFF  }
0x252: {  	(tm) =	ssettm $0x7FFFFFFF  }
0x253: {  	_ =	shalt  }

</sc_bundles>
